<compile_context>
chip_gen: v7x
topology: tpu7x:2x2x1
jax: 0.10.2.dev20260603
libtpu: 0.0.44.dev20260713+nightly
codegen_flags: <defaults>
</compile_context>

<pallas_src>
import jax
import jax.numpy as jnp
from jax import lax
from jax.experimental import pallas as pl
from jax.experimental.pallas import tpu as pltpu
from jax.experimental.pallas import tpu_sc as plsc

_N = 5000
_D = 128
_A = 32
_R1 = 1000
_RB = 320
_NQ = 10240
_QTRASH = _NQ
_NH = 5120
_NEGBIAS = -1e30
_CPR = 160
_CBASE = _NQ + 32


def _mm_nt(a, b):
    return jax.lax.dot_general(
        a, b, (((1,), (1,)), ((), ())), preferred_element_type=jnp.float32)



def _prep_kernel(co_ref, no_ref, un_ref, h_ref, dv_ref,
                 wih_ref, whh_ref, bih_ref, bhh_ref,
                 wk_ref, bk_ref, wv_ref, bv_ref, wq_ref, bq_ref,
                 hnew0_ref, kn_ref, ku_ref, vh_ref, m1max_ref, kmax2_ref,
                 qmax2_ref):
    i = pl.program_id(0)
    co = co_ref[...]
    h = h_ref[...]
    gi = _mm_nt(co, wih_ref[...]) + bih_ref[...]
    gh = _mm_nt(h, whh_ref[...]) + bhh_ref[...]
    r = jax.nn.sigmoid(gi[:, :_D] + gh[:, :_D])
    z = jax.nn.sigmoid(gi[:, _D:2 * _D] + gh[:, _D:2 * _D])
    n = jnp.tanh(gi[:, 2 * _D:] + r * gh[:, 2 * _D:])
    h_m1 = (1.0 - z) * n + z * h

    m1 = dv_ref[:, 0:1] > 0
    hnew0_ref[...] = jnp.where(m1, h_m1, 0.0)
    blockmax = jnp.max(jnp.where(m1, h_m1, -jnp.inf), axis=0, keepdims=True)

    @pl.when(i == 0)
    def _():
        m1max_ref[...] = jnp.full_like(m1max_ref[...], -jnp.inf)
        kmax2_ref[...] = jnp.zeros_like(kmax2_ref[...])
        qmax2_ref[...] = jnp.zeros_like(qmax2_ref[...])

    m1max_ref[...] = jnp.maximum(m1max_ref[...], blockmax)

    no = no_ref[...]
    un = un_ref[...]
    bf16 = jnp.bfloat16
    kn16 = (_mm_nt(no, wk_ref[...]) + bk_ref[...]).astype(bf16)
    ku16 = (_mm_nt(un, wk_ref[...]) + bk_ref[...]).astype(bf16)
    kn_ref[...] = kn16
    ku_ref[...] = ku16
    vh_ref[...] = (_mm_nt(co, wv_ref[...]) + bv_ref[...]).astype(bf16)

    knf = kn16.astype(jnp.float32)
    kuf = ku16.astype(jnp.float32)
    k2 = jnp.maximum(jnp.max(jnp.sum(knf * knf, axis=1)),
                     jnp.max(jnp.sum(kuf * kuf, axis=1)))
    kmax2_ref[...] = jnp.maximum(kmax2_ref[...], k2)

    qnb = (_mm_nt(no, wq_ref[...]) + bq_ref[...]).astype(bf16).astype(jnp.float32)
    qub = (_mm_nt(un, wq_ref[...]) + bq_ref[...]).astype(bf16).astype(jnp.float32)
    q2 = jnp.maximum(jnp.max(jnp.sum(qnb * qnb, axis=1)),
                     jnp.max(jnp.sum(qub * qub, axis=1)))
    qmax2_ref[...] = jnp.maximum(qmax2_ref[...], q2)



def _rank_kernel(m23_hbm, rk_hbm, hsrc_hbm, cnt_hbm,
                 mask_v, rk_v, hsrc_v, bb_v, cnt_v, sem):
    wid = lax.axis_index("s") * 2 + lax.axis_index("c")

    @pl.when(wid == 0)
    def _():
        pltpu.sync_copy(m23_hbm, mask_v)
        io = lax.iota(jnp.int32, 16)
        bb_v[pl.ds(0, 16)] = jnp.zeros((16,), jnp.int32)

        def body(c, cnt):
            mv = mask_v[pl.ds(c * 16, 16)]
            m = mv != 0
            x = jnp.where(m, 1, 0)
            bb_v[pl.ds(16, 16)] = x
            x = x + bb_v[pl.ds(15, 16)]
            bb_v[pl.ds(16, 16)] = x
            x = x + bb_v[pl.ds(14, 16)]
            bb_v[pl.ds(16, 16)] = x
            x = x + bb_v[pl.ds(12, 16)]
            bb_v[pl.ds(16, 16)] = x
            x = x + bb_v[pl.ds(8, 16)]
            ranks = cnt + x - 1
            jv = c * 16 + io
            rk_v[pl.ds(c * 16, 16)] = jnp.where(m, ranks, _QTRASH)
            return cnt + x[15]

        cnt = lax.fori_loop(0, _NQ // 16, body, jnp.int32(0))

        def body2(c, carry):
            r = c * 16 + io
            m2c = mask_v[pl.ds(c * 16, 16)]
            off3 = jnp.minimum(c * 16 + _N, _NQ - 16)
            m3c = mask_v[pl.ds(off3, 16)]
            rk2 = rk_v[pl.ds(c * 16, 16)]
            rk3 = rk_v[pl.ds(off3, 16)]
            hsrc_v[pl.ds(c * 16, 16)] = jnp.where(
                r < _N,
                jnp.where(m3c != 0, rk3,
                          jnp.where(m2c != 0, rk2, _CBASE + r)),
                _CBASE + r)
            return carry

        lax.fori_loop(0, _NH // 16, body2, 0)
        cnt_v[...] = jnp.zeros((16,), jnp.int32) + cnt
        pltpu.sync_copy(rk_v, rk_hbm)
        pltpu.sync_copy(hsrc_v, hsrc_hbm)
        pltpu.sync_copy(cnt_v, cnt_hbm)



def _qscatter_kernel(no_hbm, un_hbm, rk_hbm, qc_hbm, idx_v, rows_v, sem):
    w = lax.axis_index("s") * 2 + lax.axis_index("c")
    base = w * _RB
    pltpu.sync_copy(rk_hbm.at[pl.ds(base, _RB)], idx_v)

    nsplit = _N // _RB
    @pl.when(w < nsplit)
    def _():
        pltpu.sync_copy(no_hbm.at[pl.ds(base, _RB)], rows_v)

    @pl.when(w == nsplit)
    def _():
        lo = _N - nsplit * _RB
        pltpu.sync_copy(no_hbm.at[pl.ds(nsplit * _RB, lo)],
                        rows_v.at[pl.ds(0, lo)])
        pltpu.sync_copy(un_hbm.at[pl.ds(0, _RB - lo)],
                        rows_v.at[pl.ds(lo, _RB - lo)])

    @pl.when((w > nsplit) & (base - _N + _RB <= _N))
    def _():
        pltpu.sync_copy(un_hbm.at[pl.ds(base - _N, _RB)], rows_v)

    @pl.when(base - _N + _RB > _N)
    def _():
        pltpu.sync_copy(un_hbm.at[pl.ds(base - _N, 2 * _N - base)],
                        rows_v.at[pl.ds(0, 2 * _N - base)])

    def remap(c, carry):
        v = idx_v[pl.ds(c * 16, 16)]
        idx_v[pl.ds(c * 16, 16)] = jnp.where(v == _QTRASH, _QTRASH + w, v)
        return carry

    lax.fori_loop(0, _RB // 16, remap, 0)
    pltpu.async_copy(rows_v, qc_hbm.at[idx_v], sem).wait()



def _att_kernel(cnt_sref, qc_ref, kn_ref, ku_ref, vh_ref, bn_ref, bu_ref,
                m1max_ref, wq_ref, bq_ref,
                att_ref, m23max_ref, out_ref):
    i = pl.program_id(0)
    n23 = cnt_sref[0]
    inv = jnp.float32(1.0) / jnp.sqrt(jnp.float32(_A))

    @pl.when(i == 0)
    def _():
        m23max_ref[...] = jnp.full_like(m23max_ref[...], -jnp.inf)

    @pl.when(i * _RB < n23)
    def _():
        qsrc = qc_ref[...]
        qb = (_mm_nt(qsrc, wq_ref[...]) + bq_ref[...]).astype(jnp.bfloat16)
        p = (jnp.exp(_mm_nt(qb, kn_ref[...]) * inv + bn_ref[...]) +
             jnp.exp(_mm_nt(qb, ku_ref[...]) * inv + bu_ref[...]))
        l = jnp.sum(p, axis=1, keepdims=True)
        att = jnp.dot(p.astype(jnp.bfloat16), vh_ref[...],
                      preferred_element_type=jnp.float32) / l
        ath = jnp.tanh(att)
        att_ref[...] = ath

        rows = i * _RB + jax.lax.broadcasted_iota(jnp.int32, (_RB, 1), 0)
        bm = jnp.max(jnp.where(rows < n23, ath, -jnp.inf),
                     axis=0, keepdims=True)
        m23max_ref[...] = jnp.maximum(m23max_ref[...], bm)

    @pl.when(i == pl.num_programs(0) - 1)
    def _():
        out_m1 = m1max_ref[...]
        out_m23 = m23max_ref[...]
        has1 = jnp.isfinite(jnp.max(out_m1))
        has23 = jnp.isfinite(jnp.max(out_m23))
        out_ref[...] = jnp.where(
            ~has1, out_m23,
            jnp.where(~has23, out_m1, jnp.maximum(out_m1, out_m23)))



def _hmerge_kernel(cat_hbm, hsrc_hbm, hnew_hbm, sidx_v, crows_v, sem):
    w = lax.axis_index("s") * 2 + lax.axis_index("c")
    base = w * _CPR
    pltpu.sync_copy(hsrc_hbm.at[pl.ds(base, _CPR)], sidx_v)
    pltpu.async_copy(cat_hbm.at[sidx_v], crows_v, sem).wait()

    @pl.when(base + _CPR <= _N)
    def _():
        pltpu.sync_copy(crows_v, hnew_hbm.at[pl.ds(base, _CPR)])

    @pl.when(base + _CPR > _N)
    def _():
        pltpu.sync_copy(crows_v.at[pl.ds(0, _N - (31 * _CPR))],
                        hnew_hbm.at[pl.ds(31 * _CPR, _N - (31 * _CPR))])



def kernel(t, co_embeddings, divided, no_embeddings, unrelated_embeddings,
           hidden_state, w_ih, w_hh, b_ih, b_hh, wq, bq, wk, bk, wv, bv):
    f32 = jnp.float32
    bf16 = jnp.bfloat16
    i32 = jnp.int32
    h = (hidden_state if hidden_state is not None
         else jnp.zeros((_N, _D), dtype=co_embeddings.dtype))
    tpos = jnp.asarray(t) > 0
    dv_eff = jnp.where(tpos, divided, divided * jnp.array([1, 0, 0], divided.dtype))

    nblk1 = _N // _R1
    row_spec1 = lambda w: pl.BlockSpec((_R1, w), lambda i: (i, 0))
    full = lambda a: pl.BlockSpec(a.shape, lambda i, *_: tuple(0 for _ in a.shape))

    bih2 = b_ih.reshape(1, -1)
    bhh2 = b_hh.reshape(1, -1)
    bq2 = bq.reshape(1, -1)
    bk2 = bk.reshape(1, -1)
    bv2 = bv.reshape(1, -1)

    hnew0, k_n, k_u, v_h, m1max, kmax2, qmax2 = pl.pallas_call(
        _prep_kernel,
        grid=(nblk1,),
        in_specs=[row_spec1(_D), row_spec1(_D), row_spec1(_D), row_spec1(_D),
                  row_spec1(3),
                  full(w_ih), full(w_hh), full(bih2), full(bhh2),
                  full(wk), full(bk2), full(wv), full(bv2),
                  full(wq), full(bq2)],
        out_specs=[row_spec1(_D), row_spec1(_A), row_spec1(_A), row_spec1(_D),
                   pl.BlockSpec((1, _D), lambda i: (0, 0)),
                   pl.BlockSpec((1, _D), lambda i: (0, 0)),
                   pl.BlockSpec((1, _D), lambda i: (0, 0))],
        out_shape=[
            jax.ShapeDtypeStruct((_NH, _D), f32),
            jax.ShapeDtypeStruct((_N, _A), bf16),
            jax.ShapeDtypeStruct((_N, _A), bf16),
            jax.ShapeDtypeStruct((_N, _D), bf16),
            jax.ShapeDtypeStruct((1, _D), f32),
            jax.ShapeDtypeStruct((1, _D), f32),
            jax.ShapeDtypeStruct((1, _D), f32),
        ],
    )(co_embeddings, no_embeddings, unrelated_embeddings, h, dv_eff,
      w_ih, w_hh, bih2, bhh2, wk, bk2, wv, bv2, wq, bq2)

    mask2 = dv_eff[:, 1].astype(i32)
    mask3 = dv_eff[:, 2].astype(i32)
    m23pad = jnp.concatenate([mask2, mask3, jnp.zeros((_NQ - 2 * _N,), i32)])
    m_g = jnp.sqrt(qmax2[0, 0] * kmax2[0, 0]) * (1.0 / jnp.sqrt(f32(_A))) + f32(1e-3)
    bias_n = jnp.where(mask2 > 0, f32(0), f32(_NEGBIAS)).reshape(1, _N) - m_g
    bias_u = jnp.where(mask3 > 0, f32(0), f32(_NEGBIAS)).reshape(1, _N) - m_g

    mesh = plsc.VectorSubcoreMesh(core_axis_name="c", subcore_axis_name="s")

    rk, hsrc, cnt = pl.kernel(
        _rank_kernel,
        out_type=[
            jax.ShapeDtypeStruct((_NQ,), i32),
            jax.ShapeDtypeStruct((_NH,), i32),
            jax.ShapeDtypeStruct((16,), i32),
        ],
        mesh=mesh,
        scratch_types=[
            pltpu.VMEM((_NQ,), i32),
            pltpu.VMEM((_NQ,), i32),
            pltpu.VMEM((_NH,), i32),
            pltpu.VMEM((32,), i32),
            pltpu.VMEM((16,), i32),
            pltpu.SemaphoreType.DMA,
        ],
    )(m23pad)

    q_c = pl.kernel(
        _qscatter_kernel,
        out_type=jax.ShapeDtypeStruct((_NQ + 32, _D), f32),
        mesh=mesh,
        scratch_types=[
            pltpu.VMEM((_RB,), i32),
            pltpu.VMEM((_RB, _D), f32),
            pltpu.SemaphoreType.DMA,
        ],
    )(no_embeddings, unrelated_embeddings, rk)

    att_c, m23max, outv = pl.pallas_call(
        _att_kernel,
        grid_spec=pltpu.PrefetchScalarGridSpec(
            num_scalar_prefetch=1,
            grid=(_NQ // _RB,),
            in_specs=[pl.BlockSpec((_RB, _D), lambda i, *_: (i, 0)),
                      full(k_n), full(k_u), full(v_h),
                      full(bias_n), full(bias_u),
                      full(m1max), full(wq), full(bq2)],
            out_specs=[pl.BlockSpec((_RB, _D), lambda i, *_: (i, 0)),
                       pl.BlockSpec((1, _D), lambda i, *_: (0, 0)),
                       pl.BlockSpec((1, _D), lambda i, *_: (0, 0))],
        ),
        out_shape=[
            jax.ShapeDtypeStruct((_NQ + 32, _D), f32),
            jax.ShapeDtypeStruct((1, _D), f32),
            jax.ShapeDtypeStruct((1, _D), f32),
        ],
    )(cnt, q_c, k_n, k_u, v_h, bias_n, bias_u, m1max, wq, bq2)

    cat = jnp.concatenate([att_c, hnew0], axis=0)
    h_new = pl.kernel(
        _hmerge_kernel,
        out_type=jax.ShapeDtypeStruct((_N, _D), f32),
        mesh=mesh,
        scratch_types=[
            pltpu.VMEM((_CPR,), i32),
            pltpu.VMEM((_CPR, _D), f32),
            pltpu.SemaphoreType.DMA,
        ],
    )(cat, hsrc)

    return (outv[0], h_new)

# --- scband reference (transcript-rebuilt; emitter-appended) ---
"""Pipeline reference for scband-transition-layer-6811818131657 (READ-ONLY COPY).

The authoritative reference and input builder live on the scoring server;
editing this copy changes nothing except your own understanding.
"""

import jax, jax.numpy as jnp
import numpy as np

CODE_NUM = 5000
GRAPH = 128
HIDDEN = 128
ATT = 32
OUT = 128


def setup_inputs(seed: int = 0) -> dict:
    key = jax.random.key(seed)
    ks = jax.random.split(key, 20)
    s = 0.05
    inp = {}
    inp["t"] = 1
    inp["co_embeddings"] = jax.random.normal(ks[0], (CODE_NUM, GRAPH), dtype=jnp.float32)
    inp["divided"] = jax.random.randint(ks[1], (CODE_NUM, 3), 0, 2, dtype=jnp.int32)
    inp["no_embeddings"] = jax.random.normal(ks[2], (CODE_NUM, GRAPH), dtype=jnp.float32)
    inp["unrelated_embeddings"] = jax.random.normal(ks[3], (CODE_NUM, GRAPH), dtype=jnp.float32)
    inp["hidden_state"] = jax.random.normal(ks[4], (CODE_NUM, HIDDEN), dtype=jnp.float32)
    inp["w_ih"] = jax.random.normal(ks[5], (3 * HIDDEN, GRAPH), dtype=jnp.float32) * s
    inp["w_hh"] = jax.random.normal(ks[6], (3 * HIDDEN, HIDDEN), dtype=jnp.float32) * s
    inp["b_ih"] = jax.random.normal(ks[7], (3 * HIDDEN,), dtype=jnp.float32) * s
    inp["b_hh"] = jax.random.normal(ks[8], (3 * HIDDEN,), dtype=jnp.float32) * s
    inp["wq"] = jax.random.normal(ks[9], (ATT, GRAPH), dtype=jnp.float32) * s
    inp["bq"] = jax.random.normal(ks[10], (ATT,), dtype=jnp.float32) * s
    inp["wk"] = jax.random.normal(ks[11], (ATT, GRAPH), dtype=jnp.float32) * s
    inp["bk"] = jax.random.normal(ks[12], (ATT,), dtype=jnp.float32) * s
    inp["wv"] = jax.random.normal(ks[13], (OUT, GRAPH), dtype=jnp.float32) * s
    inp["bv"] = jax.random.normal(ks[14], (OUT,), dtype=jnp.float32) * s
    return inp


def _gru_cell(x, h, w_ih, w_hh, b_ih, b_hh):
    gi = x @ w_ih.T + b_ih
    gh = h @ w_hh.T + b_hh
    i_r, i_z, i_n = jnp.split(gi, 3, axis=-1)
    h_r, h_z, h_n = jnp.split(gh, 3, axis=-1)
    r = jax.nn.sigmoid(i_r + h_r)
    z = jax.nn.sigmoid(i_z + h_z)
    n = jnp.tanh(i_n + r * h_n)
    return (1.0 - z) * n + z * h


def _attention(q, k, v, wq, bq, wk, bk, wv, bv, key_mask=None):
    Q = q @ wq.T + bq
    K = k @ wk.T + bk
    V = v @ wv.T + bv
    g = (Q @ K.T) / jnp.sqrt(jnp.float32(ATT))
    if key_mask is not None:
        g = jnp.where(key_mask[None, :], g, -jnp.inf)
    s = jax.nn.softmax(g, axis=-1)
    return s @ V


def reference(t, co_embeddings, divided, no_embeddings, unrelated_embeddings, hidden_state, w_ih, w_hh, b_ih, b_hh, wq, bq, wk, bk, wv, bv):
    t_pos = t > 0
    mask1 = divided[:, 0] > 0
    mask2 = (divided[:, 1] > 0) & t_pos
    mask3 = (divided[:, 2] > 0) & t_pos
    neg = jnp.float32(-jnp.inf)
    h = hidden_state if hidden_state is not None else jnp.zeros((CODE_NUM, HIDDEN), dtype=co_embeddings.dtype)
    h_m1 = _gru_cell(co_embeddings, h, w_ih, w_hh, b_ih, b_hh)
    h_new = jnp.where(mask1[:, None], h_m1, jnp.zeros((CODE_NUM, HIDDEN), dtype=co_embeddings.dtype))
    output_m1 = jnp.max(jnp.where(mask1[:, None], h_m1, neg), axis=0)
    q = jnp.vstack([no_embeddings, unrelated_embeddings])
    v = jnp.vstack([co_embeddings, co_embeddings])
    mask23 = jnp.concatenate([mask2, mask3])
    h_m23 = jnp.tanh(_attention(q, q, v, wq, bq, wk, bk, wv, bv, key_mask=mask23))
    h_new = jnp.where(mask2[:, None], h_m23[:CODE_NUM], h_new)
    h_new = jnp.where(mask3[:, None], h_m23[CODE_NUM:], h_new)
    output_m23 = jnp.max(jnp.where(mask23[:, None], h_m23, neg), axis=0)
    n1c = jnp.sum(mask1)
    n23c = jnp.sum(mask2) + jnp.sum(mask3)
    output = jnp.where(
        n1c == 0,
        output_m23,
        jnp.where(n23c == 0, output_m1, jnp.maximum(output_m1, output_m23)),
    )
    return (output, h_new)

if __name__ == "__main__":
    import jax
    _d = setup_inputs()
    print(jax.jit(kernel)(*tuple(_d.values())))

</pallas_src>

<mosaic_0001>
#map = affine_map<(d0, d1) -> (0, 0)>
#map1 = affine_map<(d0, d1) -> (0)>
module attributes {stable_mosaic.version = 14 : i64} {
  func.func @_qscatter_kernel(%arg0: i32, %arg1: i32, %arg2: memref<5000x128xf32, #tpu.memory_space<hbm>>, %arg3: memref<5000x128xf32, #tpu.memory_space<hbm>>, %arg4: memref<10240xi32, #tpu.memory_space<hbm>>, %arg5: memref<10272x128xf32, #tpu.memory_space<hbm>>, %arg6: memref<320xi32, #tpu.memory_space<vmem>>, %arg7: memref<320x128xf32, #tpu.memory_space<vmem>>, %arg8: memref<!tpu.dma_semaphore, #tpu.memory_space<semaphore_mem>>) attributes {dimension_semantics = [#tpu.dimension_semantics<core_parallel>, #tpu.dimension_semantics<subcore_parallel>], iteration_bounds = array<i64: 2, 16>, scalar_prefetch = 0 : i64, scratch_operands = 3 : i64, tpu.core_type = #tpu.core_type<sc_vector_subcore>, window_params = [{transform_indices = #map}, {transform_indices = #map}, {transform_indices = #map1}, {transform_indices = #map}]} {
    %mul3A = arith.constant 2 : i32
    %mul3A_0 = arith.muli %arg1, %mul3A : i32
    %add3A = arith.addi %mul3A_0, %arg0 : i32
    %mul3A_1 = arith.constant 320 : i32
    %mul3A_2 = arith.muli %add3A, %mul3A_1 : i32
    "tpu.region"() ({
      %run_scoped3A = tpu.sem_alloc : memref<!tpu.dma_semaphore, #tpu.memory_space<semaphore_mem>>
      %dma_start3A_35 = tpu.memref_slice %arg4[%mul3A_2] : memref<10240xi32, #tpu.memory_space<hbm>> -> memref<320xi32, #tpu.memory_space<hbm>>
      %dma_start3A_36 = tpu.memref_slice %arg4[%mul3A_2] : memref<10240xi32, #tpu.memory_space<hbm>> -> memref<320xi32, #tpu.memory_space<hbm>>
      tpu.enqueue_dma source(%dma_start3A_36 : memref<320xi32, #tpu.memory_space<hbm>>) target(%arg6 : memref<320xi32, #tpu.memory_space<vmem>>) target_semaphore(%run_scoped3A : memref<!tpu.dma_semaphore, #tpu.memory_space<semaphore_mem>>)
      %dma_wait3A_37 = tpu.memref_slice %arg4[%mul3A_2] : memref<10240xi32, #tpu.memory_space<hbm>> -> memref<320xi32, #tpu.memory_space<hbm>>
      %dma_wait3A_38 = tpu.memref_slice %arg4[%mul3A_2] : memref<10240xi32, #tpu.memory_space<hbm>> -> memref<320xi32, #tpu.memory_space<hbm>>
      tpu.wait_dma2 semaphore(%run_scoped3A : memref<!tpu.dma_semaphore, #tpu.memory_space<semaphore_mem>>) src(%dma_wait3A_38 : memref<320xi32, #tpu.memory_space<hbm>>) dst(%arg6 : memref<320xi32, #tpu.memory_space<vmem>>)
      tpu.yield
    }) : () -> ()
    %lt3A = arith.constant 15 : i32
    %lt3A_3 = arith.cmpi slt, %add3A, %lt3A : i32
    %convert_element_type3A = arith.extui %lt3A_3 : i1 to i32
    %cond3A = arith.constant 0 : i32
    %cond3A_4 = arith.cmpi ne, %convert_element_type3A, %cond3A : i32
    scf.if %cond3A_4 {
      "tpu.region"() ({
        %run_scoped3A = tpu.sem_alloc : memref<!tpu.dma_semaphore, #tpu.memory_space<semaphore_mem>>
        %dma_start3A_35 = arith.constant 0 : i32
        %dma_start3A_36 = tpu.memref_slice %arg2[%mul3A_2, %dma_start3A_35] : memref<5000x128xf32, #tpu.memory_space<hbm>> -> memref<320x128xf32, #tpu.memory_space<hbm>>
        %dma_start3A_37 = arith.constant 0 : i32
        %dma_start3A_38 = tpu.memref_slice %arg2[%mul3A_2, %dma_start3A_37] : memref<5000x128xf32, #tpu.memory_space<hbm>> -> memref<320x128xf32, #tpu.memory_space<hbm>>
        tpu.enqueue_dma source(%dma_start3A_38 : memref<320x128xf32, #tpu.memory_space<hbm>>) target(%arg7 : memref<320x128xf32, #tpu.memory_space<vmem>>) target_semaphore(%run_scoped3A : memref<!tpu.dma_semaphore, #tpu.memory_space<semaphore_mem>>)
        %dma_wait3A_39 = arith.constant 0 : i32
        %dma_wait3A_40 = tpu.memref_slice %arg2[%mul3A_2, %dma_wait3A_39] : memref<5000x128xf32, #tpu.memory_space<hbm>> -> memref<320x128xf32, #tpu.memory_space<hbm>>
        %dma_wait3A_41 = arith.constant 0 : i32
        %dma_wait3A_42 = tpu.memref_slice %arg2[%mul3A_2, %dma_wait3A_41] : memref<5000x128xf32, #tpu.memory_space<hbm>> -> memref<320x128xf32, #tpu.memory_space<hbm>>
        tpu.wait_dma2 semaphore(%run_scoped3A : memref<!tpu.dma_semaphore, #tpu.memory_space<semaphore_mem>>) src(%dma_wait3A_42 : memref<320x128xf32, #tpu.memory_space<hbm>>) dst(%arg7 : memref<320x128xf32, #tpu.memory_space<vmem>>)
        tpu.yield
      }) : () -> ()
    } else {
    }
    %eq3A = arith.constant 15 : i32
    %eq3A_5 = arith.cmpi eq, %add3A, %eq3A : i32
    %convert_element_type3A_6 = arith.extui %eq3A_5 : i1 to i32
    %cond3A_7 = arith.constant 0 : i32
    %cond3A_8 = arith.cmpi ne, %convert_element_type3A_6, %cond3A_7 : i32
    scf.if %cond3A_8 {
      "tpu.region"() ({
        %run_scoped3A = tpu.sem_alloc : memref<!tpu.dma_semaphore, #tpu.memory_space<semaphore_mem>>
        %dma_start3A_35 = arith.constant 0 : i32
        %dma_start3A_36 = arith.constant 0 : i32
        %dma_start3A_37 = tpu.memref_slice %arg7[%dma_start3A_35, %dma_start3A_36] : memref<320x128xf32, #tpu.memory_space<vmem>> -> memref<200x128xf32, #tpu.memory_space<vmem>>
        %dma_start3A_38 = arith.constant 4800 : i32
        %dma_start3A_39 = arith.constant 0 : i32
        %dma_start3A_40 = tpu.memref_slice %arg2[%dma_start3A_38, %dma_start3A_39] : memref<5000x128xf32, #tpu.memory_space<hbm>> -> memref<200x128xf32, #tpu.memory_space<hbm>>
        %dma_start3A_41 = arith.constant 0 : i32
        %dma_start3A_42 = arith.constant 0 : i32
        %dma_start3A_43 = tpu.memref_slice %arg7[%dma_start3A_41, %dma_start3A_42] : memref<320x128xf32, #tpu.memory_space<vmem>> -> memref<200x128xf32, #tpu.memory_space<vmem>>
        %dma_start3A_44 = arith.constant 4800 : i32
        %dma_start3A_45 = arith.constant 0 : i32
        %dma_start3A_46 = tpu.memref_slice %arg2[%dma_start3A_44, %dma_start3A_45] : memref<5000x128xf32, #tpu.memory_space<hbm>> -> memref<200x128xf32, #tpu.memory_space<hbm>>
        tpu.enqueue_dma source(%dma_start3A_46 : memref<200x128xf32, #tpu.memory_space<hbm>>) target(%dma_start3A_43 : memref<200x128xf32, #tpu.memory_space<vmem>>) target_semaphore(%run_scoped3A : memref<!tpu.dma_semaphore, #tpu.memory_space<semaphore_mem>>)
        %dma_wait3A_47 = arith.constant 0 : i32
        %dma_wait3A_48 = arith.constant 0 : i32
        %dma_wait3A_49 = tpu.memref_slice %arg7[%dma_wait3A_47, %dma_wait3A_48] : memref<320x128xf32, #tpu.memory_space<vmem>> -> memref<200x128xf32, #tpu.memory_space<vmem>>
        %dma_wait3A_50 = arith.constant 4800 : i32
        %dma_wait3A_51 = arith.constant 0 : i32
        %dma_wait3A_52 = tpu.memref_slice %arg2[%dma_wait3A_50, %dma_wait3A_51] : memref<5000x128xf32, #tpu.memory_space<hbm>> -> memref<200x128xf32, #tpu.memory_space<hbm>>
        %dma_wait3A_53 = arith.constant 0 : i32
        %dma_wait3A_54 = arith.constant 0 : i32
        %dma_wait3A_55 = tpu.memref_slice %arg7[%dma_wait3A_53, %dma_wait3A_54] : memref<320x128xf32, #tpu.memory_space<vmem>> -> memref<200x128xf32, #tpu.memory_space<vmem>>
        %dma_wait3A_56 = arith.constant 4800 : i32
        %dma_wait3A_57 = arith.constant 0 : i32
        %dma_wait3A_58 = tpu.memref_slice %arg2[%dma_wait3A_56, %dma_wait3A_57] : memref<5000x128xf32, #tpu.memory_space<hbm>> -> memref<200x128xf32, #tpu.memory_space<hbm>>
        tpu.wait_dma2 semaphore(%run_scoped3A : memref<!tpu.dma_semaphore, #tpu.memory_space<semaphore_mem>>) src(%dma_wait3A_58 : memref<200x128xf32, #tpu.memory_space<hbm>>) dst(%dma_wait3A_55 : memref<200x128xf32, #tpu.memory_space<vmem>>)
        tpu.yield
      }) : () -> ()
      "tpu.region"() ({
        %run_scoped3A = tpu.sem_alloc : memref<!tpu.dma_semaphore, #tpu.memory_space<semaphore_mem>>
        %dma_start3A_35 = arith.constant 200 : i32
        %dma_start3A_36 = arith.constant 0 : i32
        %dma_start3A_37 = tpu.memref_slice %arg7[%dma_start3A_35, %dma_start3A_36] : memref<320x128xf32, #tpu.memory_space<vmem>> -> memref<120x128xf32, #tpu.memory_space<vmem>>
        %dma_start3A_38 = arith.constant 0 : i32
        %dma_start3A_39 = arith.constant 0 : i32
        %dma_start3A_40 = tpu.memref_slice %arg3[%dma_start3A_38, %dma_start3A_39] : memref<5000x128xf32, #tpu.memory_space<hbm>> -> memref<120x128xf32, #tpu.memory_space<hbm>>
        %dma_start3A_41 = arith.constant 200 : i32
        %dma_start3A_42 = arith.constant 0 : i32
        %dma_start3A_43 = tpu.memref_slice %arg7[%dma_start3A_41, %dma_start3A_42] : memref<320x128xf32, #tpu.memory_space<vmem>> -> memref<120x128xf32, #tpu.memory_space<vmem>>
        %dma_start3A_44 = arith.constant 0 : i32
        %dma_start3A_45 = arith.constant 0 : i32
        %dma_start3A_46 = tpu.memref_slice %arg3[%dma_start3A_44, %dma_start3A_45] : memref<5000x128xf32, #tpu.memory_space<hbm>> -> memref<120x128xf32, #tpu.memory_space<hbm>>
        tpu.enqueue_dma source(%dma_start3A_46 : memref<120x128xf32, #tpu.memory_space<hbm>>) target(%dma_start3A_43 : memref<120x128xf32, #tpu.memory_space<vmem>>) target_semaphore(%run_scoped3A : memref<!tpu.dma_semaphore, #tpu.memory_space<semaphore_mem>>)
        %dma_wait3A_47 = arith.constant 200 : i32
        %dma_wait3A_48 = arith.constant 0 : i32
        %dma_wait3A_49 = tpu.memref_slice %arg7[%dma_wait3A_47, %dma_wait3A_48] : memref<320x128xf32, #tpu.memory_space<vmem>> -> memref<120x128xf32, #tpu.memory_space<vmem>>
        %dma_wait3A_50 = arith.constant 0 : i32
        %dma_wait3A_51 = arith.constant 0 : i32
        %dma_wait3A_52 = tpu.memref_slice %arg3[%dma_wait3A_50, %dma_wait3A_51] : memref<5000x128xf32, #tpu.memory_space<hbm>> -> memref<120x128xf32, #tpu.memory_space<hbm>>
        %dma_wait3A_53 = arith.constant 200 : i32
        %dma_wait3A_54 = arith.constant 0 : i32
        %dma_wait3A_55 = tpu.memref_slice %arg7[%dma_wait3A_53, %dma_wait3A_54] : memref<320x128xf32, #tpu.memory_space<vmem>> -> memref<120x128xf32, #tpu.memory_space<vmem>>
        %dma_wait3A_56 = arith.constant 0 : i32
        %dma_wait3A_57 = arith.constant 0 : i32
        %dma_wait3A_58 = tpu.memref_slice %arg3[%dma_wait3A_56, %dma_wait3A_57] : memref<5000x128xf32, #tpu.memory_space<hbm>> -> memref<120x128xf32, #tpu.memory_space<hbm>>
        tpu.wait_dma2 semaphore(%run_scoped3A : memref<!tpu.dma_semaphore, #tpu.memory_space<semaphore_mem>>) src(%dma_wait3A_58 : memref<120x128xf32, #tpu.memory_space<hbm>>) dst(%dma_wait3A_55 : memref<120x128xf32, #tpu.memory_space<vmem>>)
        tpu.yield
      }) : () -> ()
    } else {
    }
    %gt3A = arith.constant 15 : i32
    %gt3A_9 = arith.cmpi sgt, %add3A, %gt3A : i32
    %sub3A = arith.constant 5000 : i32
    %sub3A_10 = arith.subi %mul3A_2, %sub3A : i32
    %add3A_11 = arith.constant 320 : i32
    %add3A_12 = arith.addi %sub3A_10, %add3A_11 : i32
    %le3A = arith.constant 5000 : i32
    %le3A_13 = arith.cmpi sle, %add3A_12, %le3A : i32
    %and3A = arith.andi %gt3A_9, %le3A_13 : i1
    %convert_element_type3A_14 = arith.extui %and3A : i1 to i32
    %cond3A_15 = arith.constant 0 : i32
    %cond3A_16 = arith.cmpi ne, %convert_element_type3A_14, %cond3A_15 : i32
    scf.if %cond3A_16 {
      %sub3A_35 = arith.constant 5000 : i32
      %sub3A_36 = arith.subi %mul3A_2, %sub3A_35 : i32
      "tpu.region"() ({
        %run_scoped3A = tpu.sem_alloc : memref<!tpu.dma_semaphore, #tpu.memory_space<semaphore_mem>>
        %dma_start3A_37 = arith.constant 0 : i32
        %dma_start3A_38 = tpu.memref_slice %arg3[%sub3A_36, %dma_start3A_37] : memref<5000x128xf32, #tpu.memory_space<hbm>> -> memref<320x128xf32, #tpu.memory_space<hbm>>
        %dma_start3A_39 = arith.constant 0 : i32
        %dma_start3A_40 = tpu.memref_slice %arg3[%sub3A_36, %dma_start3A_39] : memref<5000x128xf32, #tpu.memory_space<hbm>> -> memref<320x128xf32, #tpu.memory_space<hbm>>
        tpu.enqueue_dma source(%dma_start3A_40 : memref<320x128xf32, #tpu.memory_space<hbm>>) target(%arg7 : memref<320x128xf32, #tpu.memory_space<vmem>>) target_semaphore(%run_scoped3A : memref<!tpu.dma_semaphore, #tpu.memory_space<semaphore_mem>>)
        %dma_wait3A_41 = arith.constant 0 : i32
        %dma_wait3A_42 = tpu.memref_slice %arg3[%sub3A_36, %dma_wait3A_41] : memref<5000x128xf32, #tpu.memory_space<hbm>> -> memref<320x128xf32, #tpu.memory_space<hbm>>
        %dma_wait3A_43 = arith.constant 0 : i32
        %dma_wait3A_44 = tpu.memref_slice %arg3[%sub3A_36, %dma_wait3A_43] : memref<5000x128xf32, #tpu.memory_space<hbm>> -> memref<320x128xf32, #tpu.memory_space<hbm>>
        tpu.wait_dma2 semaphore(%run_scoped3A : memref<!tpu.dma_semaphore, #tpu.memory_space<semaphore_mem>>) src(%dma_wait3A_44 : memref<320x128xf32, #tpu.memory_space<hbm>>) dst(%arg7 : memref<320x128xf32, #tpu.memory_space<vmem>>)
        tpu.yield
      }) : () -> ()
    } else {
    }
    %sub3A_17 = arith.constant 5000 : i32
    %sub3A_18 = arith.subi %mul3A_2, %sub3A_17 : i32
    %add3A_19 = arith.constant 320 : i32
    %add3A_20 = arith.addi %sub3A_18, %add3A_19 : i32
    %gt3A_21 = arith.constant 5000 : i32
    %gt3A_22 = arith.cmpi sgt, %add3A_20, %gt3A_21 : i32
    %convert_element_type3A_23 = arith.extui %gt3A_22 : i1 to i32
    %cond3A_24 = arith.constant 0 : i32
    %cond3A_25 = arith.cmpi ne, %convert_element_type3A_23, %cond3A_24 : i32
    scf.if %cond3A_25 {
      %sub3A_35 = arith.constant 5000 : i32
      %sub3A_36 = arith.subi %mul3A_2, %sub3A_35 : i32
      %sub3A_37 = arith.constant 10000 : i32
      %sub3A_38 = arith.subi %sub3A_37, %mul3A_2 : i32
      %sub3A_39 = arith.constant 10000 : i32
      %sub3A_40 = arith.subi %sub3A_39, %mul3A_2 : i32
      "tpu.region"() ({
        %run_scoped3A = tpu.sem_alloc : memref<!tpu.dma_semaphore, #tpu.memory_space<semaphore_mem>>
        %dma_start3A_41 = arith.constant 0 : i32
        %dma_start3A_42 = arith.constant 0 : i32
        %dma_start3A_43 = tpu.memref_slice %arg7[%dma_start3A_41, %dma_start3A_42] <%sub3A_40> : memref<320x128xf32, #tpu.memory_space<vmem>> -> memref<?x128xf32, #tpu.memory_space<vmem>>
        %dma_start3A_44 = arith.constant 0 : i32
        %dma_start3A_45 = tpu.memref_slice %arg3[%sub3A_36, %dma_start3A_44] <%sub3A_38> : memref<5000x128xf32, #tpu.memory_space<hbm>> -> memref<?x128xf32, #tpu.memory_space<hbm>>
        %dma_start3A_46 = arith.constant 0 : i32
        %dma_start3A_47 = arith.constant 0 : i32
        %dma_start3A_48 = tpu.memref_slice %arg7[%dma_start3A_46, %dma_start3A_47] <%sub3A_40> : memref<320x128xf32, #tpu.memory_space<vmem>> -> memref<?x128xf32, #tpu.memory_space<vmem>>
        %dma_start3A_49 = arith.constant 0 : i32
        %dma_start3A_50 = tpu.memref_slice %arg3[%sub3A_36, %dma_start3A_49] <%sub3A_38> : memref<5000x128xf32, #tpu.memory_space<hbm>> -> memref<?x128xf32, #tpu.memory_space<hbm>>
        tpu.enqueue_dma source(%dma_start3A_50 : memref<?x128xf32, #tpu.memory_space<hbm>>) target(%dma_start3A_48 : memref<?x128xf32, #tpu.memory_space<vmem>>) target_semaphore(%run_scoped3A : memref<!tpu.dma_semaphore, #tpu.memory_space<semaphore_mem>>)
        %dma_wait3A_51 = arith.constant 0 : i32
        %dma_wait3A_52 = arith.constant 0 : i32
        %dma_wait3A_53 = tpu.memref_slice %arg7[%dma_wait3A_51, %dma_wait3A_52] <%sub3A_40> : memref<320x128xf32, #tpu.memory_space<vmem>> -> memref<?x128xf32, #tpu.memory_space<vmem>>
        %dma_wait3A_54 = arith.constant 0 : i32
        %dma_wait3A_55 = tpu.memref_slice %arg3[%sub3A_36, %dma_wait3A_54] <%sub3A_38> : memref<5000x128xf32, #tpu.memory_space<hbm>> -> memref<?x128xf32, #tpu.memory_space<hbm>>
        %dma_wait3A_56 = arith.constant 0 : i32
        %dma_wait3A_57 = arith.constant 0 : i32
        %dma_wait3A_58 = tpu.memref_slice %arg7[%dma_wait3A_56, %dma_wait3A_57] <%sub3A_40> : memref<320x128xf32, #tpu.memory_space<vmem>> -> memref<?x128xf32, #tpu.memory_space<vmem>>
        %dma_wait3A_59 = arith.constant 0 : i32
        %dma_wait3A_60 = tpu.memref_slice %arg3[%sub3A_36, %dma_wait3A_59] <%sub3A_38> : memref<5000x128xf32, #tpu.memory_space<hbm>> -> memref<?x128xf32, #tpu.memory_space<hbm>>
        tpu.wait_dma2 semaphore(%run_scoped3A : memref<!tpu.dma_semaphore, #tpu.memory_space<semaphore_mem>>) src(%dma_wait3A_60 : memref<?x128xf32, #tpu.memory_space<hbm>>) dst(%dma_wait3A_58 : memref<?x128xf32, #tpu.memory_space<vmem>>)
        tpu.yield
      }) : () -> ()
    } else {
    }
    %scan3A = arith.constant 0 : i32
    %scan3A_26 = arith.constant 0 : i32
    %scan3A_27 = arith.constant 20 : i32
    %scan3A_28 = arith.addi %scan3A_26, %scan3A_27 : i32
    %scan3A_29 = arith.constant 1 : i32
    scf.for %scan3A_35 = %scan3A_26 to %scan3A_28 step %scan3A_29  : i32 {
      %mul3A_36 = arith.constant 16 : i32
      %mul3A_37 = arith.muli %scan3A_35, %mul3A_36 : i32
      %get3A = arith.index_cast %mul3A_37 : i32 to index
      %get3A_38 = tpu.vector_load %arg6[%get3A] {strides = array<i32>} : memref<320xi32, #tpu.memory_space<vmem>>, vector<16xi32>,
      %get3A_39 = vector.shape_cast %get3A_38 : vector<16xi32> to vector<16xi32>
      %eq3A_40 = arith.constant 10240 : i32
      %eq3A_41 = vector.broadcast %eq3A_40 : i32 to vector<16xi32>
      %eq3A_42 = arith.cmpi eq, %get3A_39, %eq3A_41 : vector<16xi32>
      %add3A_43 = arith.constant 10240 : i32
      %add3A_44 = arith.addi %add3A_43, %add3A : i32
      %broadcast_in_dim3A = vector.broadcast %add3A_44 : i32 to vector<16xi32>
      %select_n3A = arith.select %eq3A_42, %broadcast_in_dim3A, %get3A_39 : vector<16xi1>, vector<16xi32>
      %mul3A_45 = arith.constant 16 : i32
      %mul3A_46 = arith.muli %scan3A_35, %mul3A_45 : i32
      %swap3A = arith.index_cast %mul3A_46 : i32 to index
      %swap3A_47 = tpu.vector_load %arg6[%swap3A] {strides = array<i32>} : memref<320xi32, #tpu.memory_space<vmem>>, vector<16xi32>,
      %swap3A_48 = vector.shape_cast %swap3A_47 : vector<16xi32> to vector<16xi32>
      %swap3A_49 = vector.shape_cast %select_n3A : vector<16xi32> to vector<16xi32>
      tpu.vector_store %arg6[%swap3A], %swap3A_49 {strides = array<i32>} : memref<320xi32, #tpu.memory_space<vmem>>, vector<16xi32>,
    }
    %scan3A_30 = arith.constant 20 : i32
    %dma_start3A = arith.constant 0 : i32
    %dma_start3A_31 = arith.constant 0 : i32
    %dma_start3A_32 = tpu.memref_slice %arg5[%dma_start3A, %dma_start3A_31] : memref<10272x128xf32, #tpu.memory_space<hbm>> -> memref<10272x128xf32, #tpu.memory_space<hbm>>
    tpu.enqueue_indirect_dma source(%arg7 : memref<320x128xf32, #tpu.memory_space<vmem>>) target(%dma_start3A_32 : memref<10272x128xf32, #tpu.memory_space<hbm>>) offsets(%arg6 : memref<320xi32, #tpu.memory_space<vmem>>) semaphore(%arg8 : memref<!tpu.dma_semaphore, #tpu.memory_space<semaphore_mem>>)
    %dma_wait3A = arith.constant 0 : i32
    %dma_wait3A_33 = arith.constant 0 : i32
    %dma_wait3A_34 = tpu.memref_slice %arg5[%dma_wait3A, %dma_wait3A_33] : memref<10272x128xf32, #tpu.memory_space<hbm>> -> memref<10272x128xf32, #tpu.memory_space<hbm>>
    tpu.wait_indirect_dma semaphore(%arg8 : memref<!tpu.dma_semaphore, #tpu.memory_space<semaphore_mem>>) src(%arg7 : memref<320x128xf32, #tpu.memory_space<vmem>>) dst(%dma_wait3A_34 : memref<10272x128xf32, #tpu.memory_space<hbm>>)
    return
  }
}

#map = affine_map<(d0, d1) -> (0)>
module attributes {stable_mosaic.version = 14 : i64} {
  func.func @_rank_kernel(%arg0: i32, %arg1: i32, %arg2: memref<10240xi32, #tpu.memory_space<hbm>>, %arg3: memref<10240xi32, #tpu.memory_space<hbm>>, %arg4: memref<5120xi32, #tpu.memory_space<hbm>>, %arg5: memref<16xi32, #tpu.memory_space<hbm>>, %arg6: memref<10240xi32, #tpu.memory_space<vmem>>, %arg7: memref<10240xi32, #tpu.memory_space<vmem>>, %arg8: memref<5120xi32, #tpu.memory_space<vmem>>, %arg9: memref<32xi32, #tpu.memory_space<vmem>>, %arg10: memref<16xi32, #tpu.memory_space<vmem>>, %arg11: memref<!tpu.dma_semaphore, #tpu.memory_space<semaphore_mem>>) attributes {dimension_semantics = [#tpu.dimension_semantics<core_parallel>, #tpu.dimension_semantics<subcore_parallel>], iteration_bounds = array<i64: 2, 16>, scalar_prefetch = 0 : i64, scratch_operands = 6 : i64, tpu.core_type = #tpu.core_type<sc_vector_subcore>, window_params = [{transform_indices = #map}, {transform_indices = #map}, {transform_indices = #map}, {transform_indices = #map}]} {
    %mul3A = arith.constant 2 : i32
    %mul3A_0 = arith.muli %arg1, %mul3A : i32
    %add3A = arith.addi %mul3A_0, %arg0 : i32
    %eq3A = arith.constant 0 : i32
    %eq3A_1 = arith.cmpi eq, %add3A, %eq3A : i32
    %convert_element_type3A = arith.extui %eq3A_1 : i1 to i32
    %cond3A = arith.constant 0 : i32
    %cond3A_2 = arith.cmpi ne, %convert_element_type3A, %cond3A : i32
    scf.if %cond3A_2 {
      "tpu.region"() ({
        %run_scoped3A = tpu.sem_alloc : memref<!tpu.dma_semaphore, #tpu.memory_space<semaphore_mem>>
        tpu.enqueue_dma source(%arg2 : memref<10240xi32, #tpu.memory_space<hbm>>) target(%arg6 : memref<10240xi32, #tpu.memory_space<vmem>>) target_semaphore(%run_scoped3A : memref<!tpu.dma_semaphore, #tpu.memory_space<semaphore_mem>>)
        tpu.wait_dma2 semaphore(%run_scoped3A : memref<!tpu.dma_semaphore, #tpu.memory_space<semaphore_mem>>) src(%arg2 : memref<10240xi32, #tpu.memory_space<hbm>>) dst(%arg6 : memref<10240xi32, #tpu.memory_space<vmem>>)
        tpu.yield
      }) : () -> ()
      %iota3A = tpu.iota {dimensions = array<i32: 0>} : vector<16xi32>
      %broadcast_in_dim3A = arith.constant 0 : i32
      %broadcast_in_dim3A_3 = vector.broadcast %broadcast_in_dim3A : i32 to vector<16xi32>
      %swap3A = arith.constant 0 : index
      %swap3A_4 = tpu.vector_load %arg9[%swap3A] {strides = array<i32>} : memref<32xi32, #tpu.memory_space<vmem>>, vector<16xi32>,
      %swap3A_5 = vector.shape_cast %swap3A_4 : vector<16xi32> to vector<16xi32>
      %swap3A_6 = vector.shape_cast %broadcast_in_dim3A_3 : vector<16xi32> to vector<16xi32>
      tpu.vector_store %arg9[%swap3A], %swap3A_6 {strides = array<i32>} : memref<32xi32, #tpu.memory_space<vmem>>, vector<16xi32>,
      %scan3A = arith.constant 0 : i32
      %scan3A_7 = arith.constant 0 : i32
      %scan3A_8 = arith.constant 640 : i32
      %scan3A_9 = arith.addi %scan3A_7, %scan3A_8 : i32
      %scan3A_10 = arith.constant 1 : i32
      %scan3A_11 = scf.for %scan3A_27 = %scan3A_7 to %scan3A_9 step %scan3A_10 iter_args(%scan3A_28 = %scan3A) -> (i32)  : i32 {
        %mul3A_29 = arith.constant 16 : i32
        %mul3A_30 = arith.muli %scan3A_27, %mul3A_29 : i32
        %get3A = arith.index_cast %mul3A_30 : i32 to index
        %get3A_31 = tpu.vector_load %arg6[%get3A] {strides = array<i32>} : memref<10240xi32, #tpu.memory_space<vmem>>, vector<16xi32>,
        %get3A_32 = vector.shape_cast %get3A_31 : vector<16xi32> to vector<16xi32>
        %ne3A = arith.constant 0 : i32
        %ne3A_33 = vector.broadcast %ne3A : i32 to vector<16xi32>
        %ne3A_34 = arith.cmpi ne, %get3A_32, %ne3A_33 : vector<16xi32>
        %jit3A = arith.constant 1 : i32
        %jit3A_35 = arith.constant 0 : i32
        %broadcast_in_dim3A_36 = vector.broadcast %jit3A : i32 to vector<16xi32>
        %broadcast_in_dim3A_37 = vector.broadcast %jit3A_35 : i32 to vector<16xi32>
        %select_n3A = arith.select %ne3A_34, %broadcast_in_dim3A_36, %broadcast_in_dim3A_37 : vector<16xi1>, vector<16xi32>
        %swap3A_38 = arith.constant 16 : index
        %swap3A_39 = tpu.vector_load %arg9[%swap3A_38] {strides = array<i32>} : memref<32xi32, #tpu.memory_space<vmem>>, vector<16xi32>,
        %swap3A_40 = vector.shape_cast %swap3A_39 : vector<16xi32> to vector<16xi32>
        %swap3A_41 = vector.shape_cast %select_n3A : vector<16xi32> to vector<16xi32>
        tpu.vector_store %arg9[%swap3A_38], %swap3A_41 {strides = array<i32>} : memref<32xi32, #tpu.memory_space<vmem>>, vector<16xi32>,
        %get3A_42 = arith.constant 15 : index
        %get3A_43 = tpu.vector_load %arg9[%get3A_42] {strides = array<i32>} : memref<32xi32, #tpu.memory_space<vmem>>, vector<16xi32>,
        %get3A_44 = vector.shape_cast %get3A_43 : vector<16xi32> to vector<16xi32>
        %add3A_45 = arith.addi %select_n3A, %get3A_44 : vector<16xi32>
        %swap3A_46 = arith.constant 16 : index
        %swap3A_47 = tpu.vector_load %arg9[%swap3A_46] {strides = array<i32>} : memref<32xi32, #tpu.memory_space<vmem>>, vector<16xi32>,
        %swap3A_48 = vector.shape_cast %swap3A_47 : vector<16xi32> to vector<16xi32>
        %swap3A_49 = vector.shape_cast %add3A_45 : vector<16xi32> to vector<16xi32>
        tpu.vector_store %arg9[%swap3A_46], %swap3A_49 {strides = array<i32>} : memref<32xi32, #tpu.memory_space<vmem>>, vector<16xi32>,
        %get3A_50 = arith.constant 14 : index
        %get3A_51 = tpu.vector_load %arg9[%get3A_50] {strides = array<i32>} : memref<32xi32, #tpu.memory_space<vmem>>, vector<16xi32>,
        %get3A_52 = vector.shape_cast %get3A_51 : vector<16xi32> to vector<16xi32>
        %add3A_53 = arith.addi %add3A_45, %get3A_52 : vector<16xi32>
        %swap3A_54 = arith.constant 16 : index
        %swap3A_55 = tpu.vector_load %arg9[%swap3A_54] {strides = array<i32>} : memref<32xi32, #tpu.memory_space<vmem>>, vector<16xi32>,
        %swap3A_56 = vector.shape_cast %swap3A_55 : vector<16xi32> to vector<16xi32>
        %swap3A_57 = vector.shape_cast %add3A_53 : vector<16xi32> to vector<16xi32>
        tpu.vector_store %arg9[%swap3A_54], %swap3A_57 {strides = array<i32>} : memref<32xi32, #tpu.memory_space<vmem>>, vector<16xi32>,
        %get3A_58 = arith.constant 12 : index
        %get3A_59 = tpu.vector_load %arg9[%get3A_58] {strides = array<i32>} : memref<32xi32, #tpu.memory_space<vmem>>, vector<16xi32>,
        %get3A_60 = vector.shape_cast %get3A_59 : vector<16xi32> to vector<16xi32>
        %add3A_61 = arith.addi %add3A_53, %get3A_60 : vector<16xi32>
        %swap3A_62 = arith.constant 16 : index
        %swap3A_63 = tpu.vector_load %arg9[%swap3A_62] {strides = array<i32>} : memref<32xi32, #tpu.memory_space<vmem>>, vector<16xi32>,
        %swap3A_64 = vector.shape_cast %swap3A_63 : vector<16xi32> to vector<16xi32>
        %swap3A_65 = vector.shape_cast %add3A_61 : vector<16xi32> to vector<16xi32>
        tpu.vector_store %arg9[%swap3A_62], %swap3A_65 {strides = array<i32>} : memref<32xi32, #tpu.memory_space<vmem>>, vector<16xi32>,
        %get3A_66 = arith.constant 8 : index
        %get3A_67 = tpu.vector_load %arg9[%get3A_66] {strides = array<i32>} : memref<32xi32, #tpu.memory_space<vmem>>, vector<16xi32>,
        %get3A_68 = vector.shape_cast %get3A_67 : vector<16xi32> to vector<16xi32>
        %add3A_69 = arith.addi %add3A_61, %get3A_68 : vector<16xi32>
        %add3A_70 = vector.broadcast %scan3A_28 : i32 to vector<16xi32>
        %add3A_71 = arith.addi %add3A_70, %add3A_69 : vector<16xi32>
        %sub3A = arith.constant 1 : i32
        %sub3A_72 = vector.broadcast %sub3A : i32 to vector<16xi32>
        %sub3A_73 = arith.subi %add3A_71, %sub3A_72 : vector<16xi32>
        %mul3A_74 = arith.constant 16 : i32
        %mul3A_75 = arith.muli %scan3A_27, %mul3A_74 : i32
        %add3A_76 = vector.broadcast %mul3A_75 : i32 to vector<16xi32>
        %add3A_77 = arith.addi %add3A_76, %iota3A : vector<16xi32>
        %jit3A_78 = arith.constant 10240 : i32
        %broadcast_in_dim3A_79 = vector.broadcast %jit3A_78 : i32 to vector<16xi32>
        %select_n3A_80 = arith.select %ne3A_34, %sub3A_73, %broadcast_in_dim3A_79 : vector<16xi1>, vector<16xi32>
        %mul3A_81 = arith.constant 16 : i32
        %mul3A_82 = arith.muli %scan3A_27, %mul3A_81 : i32
        %swap3A_83 = arith.index_cast %mul3A_82 : i32 to index
        %swap3A_84 = tpu.vector_load %arg7[%swap3A_83] {strides = array<i32>} : memref<10240xi32, #tpu.memory_space<vmem>>, vector<16xi32>,
        %swap3A_85 = vector.shape_cast %swap3A_84 : vector<16xi32> to vector<16xi32>
        %swap3A_86 = vector.shape_cast %select_n3A_80 : vector<16xi32> to vector<16xi32>
        tpu.vector_store %arg7[%swap3A_83], %swap3A_86 {strides = array<i32>} : memref<10240xi32, #tpu.memory_space<vmem>>, vector<16xi32>,
        %slice3A = vector.extract_strided_slice %add3A_69 {offsets = [15], sizes = [1], strides = [1]} : vector<16xi32> to vector<1xi32>
        %squeeze3A = vector.extract %slice3A[0] : i32 from vector<1xi32>
        %add3A_87 = arith.addi %scan3A_28, %squeeze3A : i32
        scf.yield %add3A_87 : i32
      }
      %scan3A_12 = arith.constant 640 : i32
      %scan3A_13 = arith.constant 0 : i32
      %scan3A_14 = arith.constant 0 : i32
      %scan3A_15 = arith.constant 320 : i32
      %scan3A_16 = arith.addi %scan3A_14, %scan3A_15 : i32
      %scan3A_17 = arith.constant 1 : i32
      scf.for %scan3A_27 = %scan3A_14 to %scan3A_16 step %scan3A_17  : i32 {
        %mul3A_28 = arith.constant 16 : i32
        %mul3A_29 = arith.muli %scan3A_27, %mul3A_28 : i32
        %add3A_30 = vector.broadcast %mul3A_29 : i32 to vector<16xi32>
        %add3A_31 = arith.addi %add3A_30, %iota3A : vector<16xi32>
        %mul3A_32 = arith.constant 16 : i32
        %mul3A_33 = arith.muli %scan3A_27, %mul3A_32 : i32
        %get3A = arith.index_cast %mul3A_33 : i32 to index
        %get3A_34 = tpu.vector_load %arg6[%get3A] {strides = array<i32>} : memref<10240xi32, #tpu.memory_space<vmem>>, vector<16xi32>,
        %get3A_35 = vector.shape_cast %get3A_34 : vector<16xi32> to vector<16xi32>
        %mul3A_36 = arith.constant 16 : i32
        %mul3A_37 = arith.muli %scan3A_27, %mul3A_36 : i32
        %add3A_38 = arith.constant 5000 : i32
        %add3A_39 = arith.addi %mul3A_37, %add3A_38 : i32
        %min3A = arith.constant 10224 : i32
        %min3A_40 = arith.minsi %add3A_39, %min3A : i32
        %get3A_41 = arith.index_cast %min3A_40 : i32 to index
        %get3A_42 = tpu.vector_load %arg6[%get3A_41] {strides = array<i32>} : memref<10240xi32, #tpu.memory_space<vmem>>, vector<16xi32>,
        %get3A_43 = vector.shape_cast %get3A_42 : vector<16xi32> to vector<16xi32>
        %mul3A_44 = arith.constant 16 : i32
        %mul3A_45 = arith.muli %scan3A_27, %mul3A_44 : i32
        %get3A_46 = arith.index_cast %mul3A_45 : i32 to index
        %get3A_47 = tpu.vector_load %arg7[%get3A_46] {strides = array<i32>} : memref<10240xi32, #tpu.memory_space<vmem>>, vector<16xi32>,
        %get3A_48 = vector.shape_cast %get3A_47 : vector<16xi32> to vector<16xi32>
        %get3A_49 = arith.index_cast %min3A_40 : i32 to index
        %get3A_50 = tpu.vector_load %arg7[%get3A_49] {strides = array<i32>} : memref<10240xi32, #tpu.memory_space<vmem>>, vector<16xi32>,
        %get3A_51 = vector.shape_cast %get3A_50 : vector<16xi32> to vector<16xi32>
        %lt3A = arith.constant 5000 : i32
        %lt3A_52 = vector.broadcast %lt3A : i32 to vector<16xi32>
        %lt3A_53 = arith.cmpi slt, %add3A_31, %lt3A_52 : vector<16xi32>
        %ne3A = arith.constant 0 : i32
        %ne3A_54 = vector.broadcast %ne3A : i32 to vector<16xi32>
        %ne3A_55 = arith.cmpi ne, %get3A_43, %ne3A_54 : vector<16xi32>
        %ne3A_56 = arith.constant 0 : i32
        %ne3A_57 = vector.broadcast %ne3A_56 : i32 to vector<16xi32>
        %ne3A_58 = arith.cmpi ne, %get3A_35, %ne3A_57 : vector<16xi32>
        %add3A_59 = arith.constant 10272 : i32
        %add3A_60 = vector.broadcast %add3A_59 : i32 to vector<16xi32>
        %add3A_61 = arith.addi %add3A_60, %add3A_31 : vector<16xi32>
        %select_n3A = arith.select %ne3A_58, %get3A_48, %add3A_61 : vector<16xi1>, vector<16xi32>
        %select_n3A_62 = arith.select %ne3A_55, %get3A_51, %select_n3A : vector<16xi1>, vector<16xi32>
        %add3A_63 = arith.constant 10272 : i32
        %add3A_64 = vector.broadcast %add3A_63 : i32 to vector<16xi32>
        %add3A_65 = arith.addi %add3A_64, %add3A_31 : vector<16xi32>
        %select_n3A_66 = arith.select %lt3A_53, %select_n3A_62, %add3A_65 : vector<16xi1>, vector<16xi32>
        %mul3A_67 = arith.constant 16 : i32
        %mul3A_68 = arith.muli %scan3A_27, %mul3A_67 : i32
        %swap3A_69 = arith.index_cast %mul3A_68 : i32 to index
        %swap3A_70 = tpu.vector_load %arg8[%swap3A_69] {strides = array<i32>} : memref<5120xi32, #tpu.memory_space<vmem>>, vector<16xi32>,
        %swap3A_71 = vector.shape_cast %swap3A_70 : vector<16xi32> to vector<16xi32>
        %swap3A_72 = vector.shape_cast %select_n3A_66 : vector<16xi32> to vector<16xi32>
        tpu.vector_store %arg8[%swap3A_69], %swap3A_72 {strides = array<i32>} : memref<5120xi32, #tpu.memory_space<vmem>>, vector<16xi32>,
      }
      %scan3A_18 = arith.constant 320 : i32
      %broadcast_in_dim3A_19 = arith.constant 0 : i32
      %broadcast_in_dim3A_20 = vector.broadcast %broadcast_in_dim3A_19 : i32 to vector<16xi32>
      %add3A_21 = vector.broadcast %scan3A_11 : i32 to vector<16xi32>
      %add3A_22 = arith.addi %broadcast_in_dim3A_20, %add3A_21 : vector<16xi32>
      %swap3A_23 = arith.constant 0 : index
      %swap3A_24 = tpu.vector_load %arg10[%swap3A_23] {strides = array<i32>} : memref<16xi32, #tpu.memory_space<vmem>>, vector<16xi32>,
      %swap3A_25 = vector.shape_cast %swap3A_24 : vector<16xi32> to vector<16xi32>
      %swap3A_26 = vector.shape_cast %add3A_22 : vector<16xi32> to vector<16xi32>
      tpu.vector_store %arg10[%swap3A_23], %swap3A_26 {strides = array<i32>} : memref<16xi32, #tpu.memory_space<vmem>>, vector<16xi32>,
      "tpu.region"() ({
        %run_scoped3A = tpu.sem_alloc : memref<!tpu.dma_semaphore, #tpu.memory_space<semaphore_mem>>
        tpu.enqueue_dma source(%arg7 : memref<10240xi32, #tpu.memory_space<vmem>>) target(%arg3 : memref<10240xi32, #tpu.memory_space<hbm>>) target_semaphore(%run_scoped3A : memref<!tpu.dma_semaphore, #tpu.memory_space<semaphore_mem>>)
        tpu.wait_dma2 semaphore(%run_scoped3A : memref<!tpu.dma_semaphore, #tpu.memory_space<semaphore_mem>>) src(%arg7 : memref<10240xi32, #tpu.memory_space<vmem>>) dst(%arg3 : memref<10240xi32, #tpu.memory_space<hbm>>)
        tpu.yield
      }) : () -> ()
      "tpu.region"() ({
        %run_scoped3A = tpu.sem_alloc : memref<!tpu.dma_semaphore, #tpu.memory_space<semaphore_mem>>
        tpu.enqueue_dma source(%arg8 : memref<5120xi32, #tpu.memory_space<vmem>>) target(%arg4 : memref<5120xi32, #tpu.memory_space<hbm>>) target_semaphore(%run_scoped3A : memref<!tpu.dma_semaphore, #tpu.memory_space<semaphore_mem>>)
        tpu.wait_dma2 semaphore(%run_scoped3A : memref<!tpu.dma_semaphore, #tpu.memory_space<semaphore_mem>>) src(%arg8 : memref<5120xi32, #tpu.memory_space<vmem>>) dst(%arg4 : memref<5120xi32, #tpu.memory_space<hbm>>)
        tpu.yield
      }) : () -> ()
      "tpu.region"() ({
        %run_scoped3A = tpu.sem_alloc : memref<!tpu.dma_semaphore, #tpu.memory_space<semaphore_mem>>
        tpu.enqueue_dma source(%arg10 : memref<16xi32, #tpu.memory_space<vmem>>) target(%arg5 : memref<16xi32, #tpu.memory_space<hbm>>) target_semaphore(%run_scoped3A : memref<!tpu.dma_semaphore, #tpu.memory_space<semaphore_mem>>)
        tpu.wait_dma2 semaphore(%run_scoped3A : memref<!tpu.dma_semaphore, #tpu.memory_space<semaphore_mem>>) src(%arg10 : memref<16xi32, #tpu.memory_space<vmem>>) dst(%arg5 : memref<16xi32, #tpu.memory_space<hbm>>)
        tpu.yield
      }) : () -> ()
    } else {
    }
    return
  }
}

#map = affine_map<(d0, d1) -> (0, 0)>
#map1 = affine_map<(d0, d1) -> (0)>
module attributes {stable_mosaic.version = 14 : i64} {
  func.func @_hmerge_kernel(%arg0: i32, %arg1: i32, %arg2: memref<15392x128xf32, #tpu.memory_space<hbm>>, %arg3: memref<5120xi32, #tpu.memory_space<hbm>>, %arg4: memref<5000x128xf32, #tpu.memory_space<hbm>>, %arg5: memref<160xi32, #tpu.memory_space<vmem>>, %arg6: memref<160x128xf32, #tpu.memory_space<vmem>>, %arg7: memref<!tpu.dma_semaphore, #tpu.memory_space<semaphore_mem>>) attributes {dimension_semantics = [#tpu.dimension_semantics<core_parallel>, #tpu.dimension_semantics<subcore_parallel>], iteration_bounds = array<i64: 2, 16>, scalar_prefetch = 0 : i64, scratch_operands = 3 : i64, tpu.core_type = #tpu.core_type<sc_vector_subcore>, window_params = [{transform_indices = #map}, {transform_indices = #map1}, {transform_indices = #map}]} {
    %mul3A = arith.constant 2 : i32
    %mul3A_0 = arith.muli %arg1, %mul3A : i32
    %add3A = arith.addi %mul3A_0, %arg0 : i32
    %mul3A_1 = arith.constant 160 : i32
    %mul3A_2 = arith.muli %add3A, %mul3A_1 : i32
    "tpu.region"() ({
      %run_scoped3A = tpu.sem_alloc : memref<!tpu.dma_semaphore, #tpu.memory_space<semaphore_mem>>
      %dma_start3A_17 = tpu.memref_slice %arg3[%mul3A_2] : memref<5120xi32, #tpu.memory_space<hbm>> -> memref<160xi32, #tpu.memory_space<hbm>>
      %dma_start3A_18 = tpu.memref_slice %arg3[%mul3A_2] : memref<5120xi32, #tpu.memory_space<hbm>> -> memref<160xi32, #tpu.memory_space<hbm>>
      tpu.enqueue_dma source(%dma_start3A_18 : memref<160xi32, #tpu.memory_space<hbm>>) target(%arg5 : memref<160xi32, #tpu.memory_space<vmem>>) target_semaphore(%run_scoped3A : memref<!tpu.dma_semaphore, #tpu.memory_space<semaphore_mem>>)
      %dma_wait3A_19 = tpu.memref_slice %arg3[%mul3A_2] : memref<5120xi32, #tpu.memory_space<hbm>> -> memref<160xi32, #tpu.memory_space<hbm>>
      %dma_wait3A_20 = tpu.memref_slice %arg3[%mul3A_2] : memref<5120xi32, #tpu.memory_space<hbm>> -> memref<160xi32, #tpu.memory_space<hbm>>
      tpu.wait_dma2 semaphore(%run_scoped3A : memref<!tpu.dma_semaphore, #tpu.memory_space<semaphore_mem>>) src(%dma_wait3A_20 : memref<160xi32, #tpu.memory_space<hbm>>) dst(%arg5 : memref<160xi32, #tpu.memory_space<vmem>>)
      tpu.yield
    }) : () -> ()
    %dma_start3A = arith.constant 0 : i32
    %dma_start3A_3 = arith.constant 0 : i32
    %dma_start3A_4 = tpu.memref_slice %arg2[%dma_start3A, %dma_start3A_3] : memref<15392x128xf32, #tpu.memory_space<hbm>> -> memref<15392x128xf32, #tpu.memory_space<hbm>>
    tpu.enqueue_indirect_dma source(%dma_start3A_4 : memref<15392x128xf32, #tpu.memory_space<hbm>>) target(%arg6 : memref<160x128xf32, #tpu.memory_space<vmem>>) offsets(%arg5 : memref<160xi32, #tpu.memory_space<vmem>>) semaphore(%arg7 : memref<!tpu.dma_semaphore, #tpu.memory_space<semaphore_mem>>)
    %dma_wait3A = arith.constant 0 : i32
    %dma_wait3A_5 = arith.constant 0 : i32
    %dma_wait3A_6 = tpu.memref_slice %arg2[%dma_wait3A, %dma_wait3A_5] : memref<15392x128xf32, #tpu.memory_space<hbm>> -> memref<15392x128xf32, #tpu.memory_space<hbm>>
    tpu.wait_indirect_dma semaphore(%arg7 : memref<!tpu.dma_semaphore, #tpu.memory_space<semaphore_mem>>) src(%dma_wait3A_6 : memref<15392x128xf32, #tpu.memory_space<hbm>>) dst(%arg6 : memref<160x128xf32, #tpu.memory_space<vmem>>)
    %add3A_7 = arith.constant 160 : i32
    %add3A_8 = arith.addi %mul3A_2, %add3A_7 : i32
    %le3A = arith.constant 5000 : i32
    %le3A_9 = arith.cmpi sle, %add3A_8, %le3A : i32
    %convert_element_type3A = arith.extui %le3A_9 : i1 to i32
    %cond3A = arith.constant 0 : i32
    %cond3A_10 = arith.cmpi ne, %convert_element_type3A, %cond3A : i32
    scf.if %cond3A_10 {
      "tpu.region"() ({
        %run_scoped3A = tpu.sem_alloc : memref<!tpu.dma_semaphore, #tpu.memory_space<semaphore_mem>>
        %dma_start3A_17 = arith.constant 0 : i32
        %dma_start3A_18 = tpu.memref_slice %arg4[%mul3A_2, %dma_start3A_17] : memref<5000x128xf32, #tpu.memory_space<hbm>> -> memref<160x128xf32, #tpu.memory_space<hbm>>
        %dma_start3A_19 = arith.constant 0 : i32
        %dma_start3A_20 = tpu.memref_slice %arg4[%mul3A_2, %dma_start3A_19] : memref<5000x128xf32, #tpu.memory_space<hbm>> -> memref<160x128xf32, #tpu.memory_space<hbm>>
        tpu.enqueue_dma source(%arg6 : memref<160x128xf32, #tpu.memory_space<vmem>>) target(%dma_start3A_20 : memref<160x128xf32, #tpu.memory_space<hbm>>) target_semaphore(%run_scoped3A : memref<!tpu.dma_semaphore, #tpu.memory_space<semaphore_mem>>)
        %dma_wait3A_21 = arith.constant 0 : i32
        %dma_wait3A_22 = tpu.memref_slice %arg4[%mul3A_2, %dma_wait3A_21] : memref<5000x128xf32, #tpu.memory_space<hbm>> -> memref<160x128xf32, #tpu.memory_space<hbm>>
        %dma_wait3A_23 = arith.constant 0 : i32
        %dma_wait3A_24 = tpu.memref_slice %arg4[%mul3A_2, %dma_wait3A_23] : memref<5000x128xf32, #tpu.memory_space<hbm>> -> memref<160x128xf32, #tpu.memory_space<hbm>>
        tpu.wait_dma2 semaphore(%run_scoped3A : memref<!tpu.dma_semaphore, #tpu.memory_space<semaphore_mem>>) src(%arg6 : memref<160x128xf32, #tpu.memory_space<vmem>>) dst(%dma_wait3A_24 : memref<160x128xf32, #tpu.memory_space<hbm>>)
        tpu.yield
      }) : () -> ()
    } else {
    }
    %add3A_11 = arith.constant 160 : i32
    %add3A_12 = arith.addi %mul3A_2, %add3A_11 : i32
    %gt3A = arith.constant 5000 : i32
    %gt3A_13 = arith.cmpi sgt, %add3A_12, %gt3A : i32
    %convert_element_type3A_14 = arith.extui %gt3A_13 : i1 to i32
    %cond3A_15 = arith.constant 0 : i32
    %cond3A_16 = arith.cmpi ne, %convert_element_type3A_14, %cond3A_15 : i32
    scf.if %cond3A_16 {
      "tpu.region"() ({
        %run_scoped3A = tpu.sem_alloc : memref<!tpu.dma_semaphore, #tpu.memory_space<semaphore_mem>>
        %dma_start3A_17 = arith.constant 0 : i32
        %dma_start3A_18 = arith.constant 0 : i32
        %dma_start3A_19 = tpu.memref_slice %arg6[%dma_start3A_17, %dma_start3A_18] : memref<160x128xf32, #tpu.memory_space<vmem>> -> memref<40x128xf32, #tpu.memory_space<vmem>>
        %dma_start3A_20 = arith.constant 4960 : i32
        %dma_start3A_21 = arith.constant 0 : i32
        %dma_start3A_22 = tpu.memref_slice %arg4[%dma_start3A_20, %dma_start3A_21] : memref<5000x128xf32, #tpu.memory_space<hbm>> -> memref<40x128xf32, #tpu.memory_space<hbm>>
        %dma_start3A_23 = arith.constant 4960 : i32
        %dma_start3A_24 = arith.constant 0 : i32
        %dma_start3A_25 = tpu.memref_slice %arg4[%dma_start3A_23, %dma_start3A_24] : memref<5000x128xf32, #tpu.memory_space<hbm>> -> memref<40x128xf32, #tpu.memory_space<hbm>>
        %dma_start3A_26 = arith.constant 0 : i32
        %dma_start3A_27 = arith.constant 0 : i32
        %dma_start3A_28 = tpu.memref_slice %arg6[%dma_start3A_26, %dma_start3A_27] : memref<160x128xf32, #tpu.memory_space<vmem>> -> memref<40x128xf32, #tpu.memory_space<vmem>>
        tpu.enqueue_dma source(%dma_start3A_28 : memref<40x128xf32, #tpu.memory_space<vmem>>) target(%dma_start3A_25 : memref<40x128xf32, #tpu.memory_space<hbm>>) target_semaphore(%run_scoped3A : memref<!tpu.dma_semaphore, #tpu.memory_space<semaphore_mem>>)
        %dma_wait3A_29 = arith.constant 0 : i32
        %dma_wait3A_30 = arith.constant 0 : i32
        %dma_wait3A_31 = tpu.memref_slice %arg6[%dma_wait3A_29, %dma_wait3A_30] : memref<160x128xf32, #tpu.memory_space<vmem>> -> memref<40x128xf32, #tpu.memory_space<vmem>>
        %dma_wait3A_32 = arith.constant 4960 : i32
        %dma_wait3A_33 = arith.constant 0 : i32
        %dma_wait3A_34 = tpu.memref_slice %arg4[%dma_wait3A_32, %dma_wait3A_33] : memref<5000x128xf32, #tpu.memory_space<hbm>> -> memref<40x128xf32, #tpu.memory_space<hbm>>
        %dma_wait3A_35 = arith.constant 4960 : i32
        %dma_wait3A_36 = arith.constant 0 : i32
        %dma_wait3A_37 = tpu.memref_slice %arg4[%dma_wait3A_35, %dma_wait3A_36] : memref<5000x128xf32, #tpu.memory_space<hbm>> -> memref<40x128xf32, #tpu.memory_space<hbm>>
        %dma_wait3A_38 = arith.constant 0 : i32
        %dma_wait3A_39 = arith.constant 0 : i32
        %dma_wait3A_40 = tpu.memref_slice %arg6[%dma_wait3A_38, %dma_wait3A_39] : memref<160x128xf32, #tpu.memory_space<vmem>> -> memref<40x128xf32, #tpu.memory_space<vmem>>
        tpu.wait_dma2 semaphore(%run_scoped3A : memref<!tpu.dma_semaphore, #tpu.memory_space<semaphore_mem>>) src(%dma_wait3A_40 : memref<40x128xf32, #tpu.memory_space<vmem>>) dst(%dma_wait3A_37 : memref<40x128xf32, #tpu.memory_space<hbm>>)
        tpu.yield
      }) : () -> ()
    } else {
    }
    return
  }
}

module attributes {stable_mosaic.version = 14 : i64} {
  func.func @_prep_kernel(%arg0: i32, %arg1: memref<1000x128xf32, #tpu.memory_space<vmem>>, %arg2: memref<1000x128xf32, #tpu.memory_space<vmem>>, %arg3: memref<1000x128xf32, #tpu.memory_space<vmem>>, %arg4: memref<1000x128xf32, #tpu.memory_space<vmem>>, %arg5: memref<1000x3xi32, #tpu.memory_space<vmem>>, %arg6: memref<384x128xf32, #tpu.memory_space<vmem>>, %arg7: memref<384x128xf32, #tpu.memory_space<vmem>>, %arg8: memref<1x384xf32, #tpu.memory_space<vmem>>, %arg9: memref<1x384xf32, #tpu.memory_space<vmem>>, %arg10: memref<32x128xf32, #tpu.memory_space<vmem>>, %arg11: memref<1x32xf32, #tpu.memory_space<vmem>>, %arg12: memref<128x128xf32, #tpu.memory_space<vmem>>, %arg13: memref<1x128xf32, #tpu.memory_space<vmem>>, %arg14: memref<32x128xf32, #tpu.memory_space<vmem>>, %arg15: memref<1x32xf32, #tpu.memory_space<vmem>>, %arg16: memref<1000x128xf32, #tpu.memory_space<vmem>>, %arg17: memref<1000x32xbf16, #tpu.memory_space<vmem>>, %arg18: memref<1000x32xbf16, #tpu.memory_space<vmem>>, %arg19: memref<1000x128xbf16, #tpu.memory_space<vmem>>, %arg20: memref<1x128xf32, #tpu.memory_space<vmem>>, %arg21: memref<1x128xf32, #tpu.memory_space<vmem>>, %arg22: memref<1x128xf32, #tpu.memory_space<vmem>>) attributes {dimension_semantics = [#tpu.dimension_semantics<arbitrary>], iteration_bounds = array<i64: 5>, scalar_prefetch = 0 : i64, scratch_operands = 0 : i64, tpu.core_type = #tpu.core_type<tc>, window_params = [{transform_indices = @transform_0, window_bounds = array<i64: 1000, 128>}, {transform_indices = @transform_1, window_bounds = array<i64: 1000, 128>}, {transform_indices = @transform_2, window_bounds = array<i64: 1000, 128>}, {transform_indices = @transform_3, window_bounds = array<i64: 1000, 128>}, {transform_indices = @transform_4, window_bounds = array<i64: 1000, 3>}, {pipeline_mode = #tpu.pipeline_mode<synchronous>, transform_indices = @transform_5, window_bounds = array<i64: 384, 128>}, {pipeline_mode = #tpu.pipeline_mode<synchronous>, transform_indices = @transform_6, window_bounds = array<i64: 384, 128>}, {pipeline_mode = #tpu.pipeline_mode<synchronous>, transform_indices = @transform_7, window_bounds = array<i64: 1, 384>}, {pipeline_mode = #tpu.pipeline_mode<synchronous>, transform_indices = @transform_8, window_bounds = array<i64: 1, 384>}, {pipeline_mode = #tpu.pipeline_mode<synchronous>, transform_indices = @transform_9, window_bounds = array<i64: 32, 128>}, {pipeline_mode = #tpu.pipeline_mode<synchronous>, transform_indices = @transform_10, window_bounds = array<i64: 1, 32>}, {pipeline_mode = #tpu.pipeline_mode<synchronous>, transform_indices = @transform_11, window_bounds = array<i64: 128, 128>}, {pipeline_mode = #tpu.pipeline_mode<synchronous>, transform_indices = @transform_12, window_bounds = array<i64: 1, 128>}, {pipeline_mode = #tpu.pipeline_mode<synchronous>, transform_indices = @transform_13, window_bounds = array<i64: 32, 128>}, {pipeline_mode = #tpu.pipeline_mode<synchronous>, transform_indices = @transform_14, window_bounds = array<i64: 1, 32>}, {transform_indices = @transform_15, window_bounds = array<i64: 1000, 128>}, {transform_indices = @transform_16, window_bounds = array<i64: 1000, 32>}, {transform_indices = @transform_17, window_bounds = array<i64: 1000, 32>}, {transform_indices = @transform_18, window_bounds = array<i64: 1000, 128>}, {pipeline_mode = #tpu.pipeline_mode<synchronous>, transform_indices = @transform_19, window_bounds = array<i64: 1, 128>}, {pipeline_mode = #tpu.pipeline_mode<synchronous>, transform_indices = @transform_20, window_bounds = array<i64: 1, 128>}, {pipeline_mode = #tpu.pipeline_mode<synchronous>, transform_indices = @transform_21, window_bounds = array<i64: 1, 128>}]} {
    %get3A = arith.constant 0 : index
    %get3A_0 = arith.constant 0 : index
    %get3A_1 = vector.load %arg1[%get3A, %get3A_0] : memref<1000x128xf32, #tpu.memory_space<vmem>>, vector<1000x128xf32>
    %get3A_2 = arith.constant 0 : index
    %get3A_3 = arith.constant 0 : index
    %get3A_4 = vector.load %arg4[%get3A_2, %get3A_3] : memref<1000x128xf32, #tpu.memory_space<vmem>>, vector<1000x128xf32>
    %get3A_5 = arith.constant 0 : index
    %get3A_6 = arith.constant 0 : index
    %get3A_7 = vector.load %arg6[%get3A_5, %get3A_6] : memref<384x128xf32, #tpu.memory_space<vmem>>, vector<384x128xf32>
    %dot_general3A = arith.constant dense<0.000000e+00> : vector<1000x384xf32>
    %dot_general3A_8 = tpu.matmul %get3A_1, %get3A_7, %dot_general3A {dimension_numbers = #tpu.dot_dimension_numbers<[1], [1], [0], [0], [0, 0, 1, 0], [], []>, transpose_lhs_hint = false} : vector<1000x128xf32>, vector<384x128xf32>, vector<1000x384xf32> -> vector<1000x384xf32>
    %get3A_9 = arith.constant 0 : index
    %get3A_10 = arith.constant 0 : index
    %get3A_11 = vector.load %arg8[%get3A_9, %get3A_10] : memref<1x384xf32, #tpu.memory_space<vmem>>, vector<1x384xf32>
    %add3A = vector.broadcast %get3A_11 : vector<1x384xf32> to vector<1000x384xf32>
    %add3A_12 = arith.addf %dot_general3A_8, %add3A : vector<1000x384xf32>
    %get3A_13 = arith.constant 0 : index
    %get3A_14 = arith.constant 0 : index
    %get3A_15 = vector.load %arg7[%get3A_13, %get3A_14] : memref<384x128xf32, #tpu.memory_space<vmem>>, vector<384x128xf32>
    %dot_general3A_16 = arith.constant dense<0.000000e+00> : vector<1000x384xf32>
    %dot_general3A_17 = tpu.matmul %get3A_4, %get3A_15, %dot_general3A_16 {dimension_numbers = #tpu.dot_dimension_numbers<[1], [1], [0], [0], [0, 0, 1, 0], [], []>, transpose_lhs_hint = false} : vector<1000x128xf32>, vector<384x128xf32>, vector<1000x384xf32> -> vector<1000x384xf32>
    %get3A_18 = arith.constant 0 : index
    %get3A_19 = arith.constant 0 : index
    %get3A_20 = vector.load %arg9[%get3A_18, %get3A_19] : memref<1x384xf32, #tpu.memory_space<vmem>>, vector<1x384xf32>
    %add3A_21 = vector.broadcast %get3A_20 : vector<1x384xf32> to vector<1000x384xf32>
    %add3A_22 = arith.addf %dot_general3A_17, %add3A_21 : vector<1000x384xf32>
    %slice3A = vector.extract_strided_slice %add3A_12 {offsets = [0, 0], sizes = [1000, 128], strides = [1, 1]} : vector<1000x384xf32> to vector<1000x128xf32>
    %slice3A_23 = vector.extract_strided_slice %add3A_22 {offsets = [0, 0], sizes = [1000, 128], strides = [1, 1]} : vector<1000x384xf32> to vector<1000x128xf32>
    %add3A_24 = arith.addf %slice3A, %slice3A_23 : vector<1000x128xf32>
    %logistic3A = arith.negf %add3A_24 : vector<1000x128xf32>
    %logistic3A_25 = math.exp %logistic3A : vector<1000x128xf32>
    %logistic3A_26 = arith.constant 1.000000e+00 : f32
    %logistic3A_27 = vector.broadcast %logistic3A_26 : f32 to vector<1000x128xf32>
    %logistic3A_28 = arith.addf %logistic3A_27, %logistic3A_25 : vector<1000x128xf32>
    %logistic3A_29 = arith.divf %logistic3A_27, %logistic3A_28 : vector<1000x128xf32>
    %slice3A_30 = vector.extract_strided_slice %add3A_12 {offsets = [0, 128], sizes = [1000, 128], strides = [1, 1]} : vector<1000x384xf32> to vector<1000x128xf32>
    %slice3A_31 = vector.extract_strided_slice %add3A_22 {offsets = [0, 128], sizes = [1000, 128], strides = [1, 1]} : vector<1000x384xf32> to vector<1000x128xf32>
    %add3A_32 = arith.addf %slice3A_30, %slice3A_31 : vector<1000x128xf32>
    %logistic3A_33 = arith.negf %add3A_32 : vector<1000x128xf32>
    %logistic3A_34 = math.exp %logistic3A_33 : vector<1000x128xf32>
    %logistic3A_35 = arith.constant 1.000000e+00 : f32
    %logistic3A_36 = vector.broadcast %logistic3A_35 : f32 to vector<1000x128xf32>
    %logistic3A_37 = arith.addf %logistic3A_36, %logistic3A_34 : vector<1000x128xf32>
    %logistic3A_38 = arith.divf %logistic3A_36, %logistic3A_37 : vector<1000x128xf32>
    %slice3A_39 = vector.extract_strided_slice %add3A_12 {offsets = [0, 256], sizes = [1000, 128], strides = [1, 1]} : vector<1000x384xf32> to vector<1000x128xf32>
    %slice3A_40 = vector.extract_strided_slice %add3A_22 {offsets = [0, 256], sizes = [1000, 128], strides = [1, 1]} : vector<1000x384xf32> to vector<1000x128xf32>
    %mul3A = arith.mulf %logistic3A_29, %slice3A_40 : vector<1000x128xf32>
    %add3A_41 = arith.addf %slice3A_39, %mul3A : vector<1000x128xf32>
    %tanh3A = math.tanh %add3A_41 : vector<1000x128xf32>
    %sub3A = arith.constant 1.000000e+00 : f32
    %sub3A_42 = vector.broadcast %sub3A : f32 to vector<1000x128xf32>
    %sub3A_43 = arith.subf %sub3A_42, %logistic3A_38 : vector<1000x128xf32>
    %mul3A_44 = arith.mulf %sub3A_43, %tanh3A : vector<1000x128xf32>
    %mul3A_45 = arith.mulf %logistic3A_38, %get3A_4 : vector<1000x128xf32>
    %add3A_46 = arith.addf %mul3A_44, %mul3A_45 : vector<1000x128xf32>
    %get3A_47 = arith.constant 0 : index
    %get3A_48 = arith.constant 0 : index
    %get3A_49 = vector.load %arg5[%get3A_47, %get3A_48] : memref<1000x3xi32, #tpu.memory_space<vmem>>, vector<1000x1xi32>
    %gt3A = arith.constant 0 : i32
    %gt3A_50 = vector.broadcast %gt3A : i32 to vector<1000x1xi32>
    %gt3A_51 = arith.cmpi sgt, %get3A_49, %gt3A_50 : vector<1000x1xi32>
    %jit3A = arith.constant 0.000000e+00 : f32
    %broadcast_in_dim3A = vector.shape_cast %gt3A_51 : vector<1000x1xi1> to vector<1000x1xi1>
    %broadcast_in_dim3A_52 = vector.broadcast %broadcast_in_dim3A : vector<1000x1xi1> to vector<1000x128xi1>
    %broadcast_in_dim3A_53 = vector.broadcast %jit3A : f32 to vector<1000x128xf32>
    %select_n3A = arith.select %broadcast_in_dim3A_52, %add3A_46, %broadcast_in_dim3A_53 : vector<1000x128xi1>, vector<1000x128xf32>
    %swap3A = arith.constant 0 : index
    %swap3A_54 = arith.constant 0 : index
    %swap3A_55 = vector.load %arg16[%swap3A, %swap3A_54] : memref<1000x128xf32, #tpu.memory_space<vmem>>, vector<1000x128xf32>
    tpu.vector_store %arg16[%swap3A, %swap3A_54], %select_n3A {strides = array<i32>} : memref<1000x128xf32, #tpu.memory_space<vmem>>, vector<1000x128xf32>,
    %jit3A_56 = arith.constant 0xFF800000 : f32
    %broadcast_in_dim3A_57 = vector.shape_cast %gt3A_51 : vector<1000x1xi1> to vector<1000x1xi1>
    %broadcast_in_dim3A_58 = vector.broadcast %broadcast_in_dim3A_57 : vector<1000x1xi1> to vector<1000x128xi1>
    %broadcast_in_dim3A_59 = vector.broadcast %jit3A_56 : f32 to vector<1000x128xf32>
    %select_n3A_60 = arith.select %broadcast_in_dim3A_58, %add3A_46, %broadcast_in_dim3A_59 : vector<1000x128xi1>, vector<1000x128xf32>
    %reduce_max3A = arith.constant dense<0xFF800000> : vector<128xf32>
    %reduce_max3A_61 = vector.multi_reduction <maximumf>, %select_n3A_60, %reduce_max3A [0] : vector<1000x128xf32> to vector<128xf32>
    %broadcast_in_dim3A_62 = vector.shape_cast %reduce_max3A_61 : vector<128xf32> to vector<1x128xf32>
    %eq3A = arith.constant 0 : i32
    %eq3A_63 = arith.cmpi eq, %arg0, %eq3A : i32
    %convert_element_type3A = arith.extui %eq3A_63 : i1 to i32
    %cond3A = arith.constant 0 : i32
    %cond3A_64 = arith.cmpi ne, %convert_element_type3A, %cond3A : i32
    scf.if %cond3A_64 {
      %broadcast_in_dim3A_194 = arith.constant 0xFF800000 : f32
      %broadcast_in_dim3A_195 = vector.broadcast %broadcast_in_dim3A_194 : f32 to vector<1x128xf32>
      %swap3A_196 = arith.constant 0 : index
      %swap3A_197 = arith.constant 0 : index
      %swap3A_198 = vector.load %arg20[%swap3A_196, %swap3A_197] : memref<1x128xf32, #tpu.memory_space<vmem>>, vector<1x128xf32>
      tpu.vector_store %arg20[%swap3A_196, %swap3A_197], %broadcast_in_dim3A_195 {strides = array<i32>} : memref<1x128xf32, #tpu.memory_space<vmem>>, vector<1x128xf32>,
      %broadcast_in_dim3A_199 = arith.constant 0.000000e+00 : f32
      %broadcast_in_dim3A_200 = vector.broadcast %broadcast_in_dim3A_199 : f32 to vector<1x128xf32>
      %swap3A_201 = arith.constant 0 : index
      %swap3A_202 = arith.constant 0 : index
      %swap3A_203 = vector.load %arg21[%swap3A_201, %swap3A_202] : memref<1x128xf32, #tpu.memory_space<vmem>>, vector<1x128xf32>
      tpu.vector_store %arg21[%swap3A_201, %swap3A_202], %broadcast_in_dim3A_200 {strides = array<i32>} : memref<1x128xf32, #tpu.memory_space<vmem>>, vector<1x128xf32>,
      %broadcast_in_dim3A_204 = arith.constant 0.000000e+00 : f32
      %broadcast_in_dim3A_205 = vector.broadcast %broadcast_in_dim3A_204 : f32 to vector<1x128xf32>
      %swap3A_206 = arith.constant 0 : index
      %swap3A_207 = arith.constant 0 : index
      %swap3A_208 = vector.load %arg22[%swap3A_206, %swap3A_207] : memref<1x128xf32, #tpu.memory_space<vmem>>, vector<1x128xf32>
      tpu.vector_store %arg22[%swap3A_206, %swap3A_207], %broadcast_in_dim3A_205 {strides = array<i32>} : memref<1x128xf32, #tpu.memory_space<vmem>>, vector<1x128xf32>,
    } else {
    }
    %get3A_65 = arith.constant 0 : index
    %get3A_66 = arith.constant 0 : index
    %get3A_67 = vector.load %arg20[%get3A_65, %get3A_66] : memref<1x128xf32, #tpu.memory_space<vmem>>, vector<1x128xf32>
    %max3A = arith.maximumf %get3A_67, %broadcast_in_dim3A_62 : vector<1x128xf32>
    %swap3A_68 = arith.constant 0 : index
    %swap3A_69 = arith.constant 0 : index
    %swap3A_70 = vector.load %arg20[%swap3A_68, %swap3A_69] : memref<1x128xf32, #tpu.memory_space<vmem>>, vector<1x128xf32>
    tpu.vector_store %arg20[%swap3A_68, %swap3A_69], %max3A {strides = array<i32>} : memref<1x128xf32, #tpu.memory_space<vmem>>, vector<1x128xf32>,
    %get3A_71 = arith.constant 0 : index
    %get3A_72 = arith.constant 0 : index
    %get3A_73 = vector.load %arg2[%get3A_71, %get3A_72] : memref<1000x128xf32, #tpu.memory_space<vmem>>, vector<1000x128xf32>
    %get3A_74 = arith.constant 0 : index
    %get3A_75 = arith.constant 0 : index
    %get3A_76 = vector.load %arg3[%get3A_74, %get3A_75] : memref<1000x128xf32, #tpu.memory_space<vmem>>, vector<1000x128xf32>
    %get3A_77 = arith.constant 0 : index
    %get3A_78 = arith.constant 0 : index
    %get3A_79 = vector.load %arg10[%get3A_77, %get3A_78] : memref<32x128xf32, #tpu.memory_space<vmem>>, vector<32x128xf32>
    %dot_general3A_80 = arith.constant dense<0.000000e+00> : vector<1000x32xf32>
    %dot_general3A_81 = tpu.matmul %get3A_73, %get3A_79, %dot_general3A_80 {dimension_numbers = #tpu.dot_dimension_numbers<[1], [1], [0], [0], [0, 0, 1, 0], [], []>, transpose_lhs_hint = false} : vector<1000x128xf32>, vector<32x128xf32>, vector<1000x32xf32> -> vector<1000x32xf32>
    %get3A_82 = arith.constant 0 : index
    %get3A_83 = arith.constant 0 : index
    %get3A_84 = vector.load %arg11[%get3A_82, %get3A_83] : memref<1x32xf32, #tpu.memory_space<vmem>>, vector<1x32xf32>
    %add3A_85 = vector.broadcast %get3A_84 : vector<1x32xf32> to vector<1000x32xf32>
    %add3A_86 = arith.addf %dot_general3A_81, %add3A_85 : vector<1000x32xf32>
    %convert_element_type3A_87 = arith.truncf %add3A_86 : vector<1000x32xf32> to vector<1000x32xbf16>
    %get3A_88 = arith.constant 0 : index
    %get3A_89 = arith.constant 0 : index
    %get3A_90 = vector.load %arg10[%get3A_88, %get3A_89] : memref<32x128xf32, #tpu.memory_space<vmem>>, vector<32x128xf32>
    %dot_general3A_91 = arith.constant dense<0.000000e+00> : vector<1000x32xf32>
    %dot_general3A_92 = tpu.matmul %get3A_76, %get3A_90, %dot_general3A_91 {dimension_numbers = #tpu.dot_dimension_numbers<[1], [1], [0], [0], [0, 0, 1, 0], [], []>, transpose_lhs_hint = false} : vector<1000x128xf32>, vector<32x128xf32>, vector<1000x32xf32> -> vector<1000x32xf32>
    %get3A_93 = arith.constant 0 : index
    %get3A_94 = arith.constant 0 : index
    %get3A_95 = vector.load %arg11[%get3A_93, %get3A_94] : memref<1x32xf32, #tpu.memory_space<vmem>>, vector<1x32xf32>
    %add3A_96 = vector.broadcast %get3A_95 : vector<1x32xf32> to vector<1000x32xf32>
    %add3A_97 = arith.addf %dot_general3A_92, %add3A_96 : vector<1000x32xf32>
    %convert_element_type3A_98 = arith.truncf %add3A_97 : vector<1000x32xf32> to vector<1000x32xbf16>
    %swap3A_99 = arith.constant 0 : index
    %swap3A_100 = arith.constant 0 : index
    %swap3A_101 = vector.load %arg17[%swap3A_99, %swap3A_100] : memref<1000x32xbf16, #tpu.memory_space<vmem>>, vector<1000x32xbf16>
    tpu.vector_store %arg17[%swap3A_99, %swap3A_100], %convert_element_type3A_87 {strides = array<i32>} : memref<1000x32xbf16, #tpu.memory_space<vmem>>, vector<1000x32xbf16>,
    %swap3A_102 = arith.constant 0 : index
    %swap3A_103 = arith.constant 0 : index
    %swap3A_104 = vector.load %arg18[%swap3A_102, %swap3A_103] : memref<1000x32xbf16, #tpu.memory_space<vmem>>, vector<1000x32xbf16>
    tpu.vector_store %arg18[%swap3A_102, %swap3A_103], %convert_element_type3A_98 {strides = array<i32>} : memref<1000x32xbf16, #tpu.memory_space<vmem>>, vector<1000x32xbf16>,
    %get3A_105 = arith.constant 0 : index
    %get3A_106 = arith.constant 0 : index
    %get3A_107 = vector.load %arg12[%get3A_105, %get3A_106] : memref<128x128xf32, #tpu.memory_space<vmem>>, vector<128x128xf32>
    %dot_general3A_108 = arith.constant dense<0.000000e+00> : vector<1000x128xf32>
    %dot_general3A_109 = tpu.matmul %get3A_1, %get3A_107, %dot_general3A_108 {dimension_numbers = #tpu.dot_dimension_numbers<[1], [1], [0], [0], [0, 0, 1, 0], [], []>, transpose_lhs_hint = false} : vector<1000x128xf32>, vector<128x128xf32>, vector<1000x128xf32> -> vector<1000x128xf32>
    %get3A_110 = arith.constant 0 : index
    %get3A_111 = arith.constant 0 : index
    %get3A_112 = vector.load %arg13[%get3A_110, %get3A_111] : memref<1x128xf32, #tpu.memory_space<vmem>>, vector<1x128xf32>
    %add3A_113 = vector.broadcast %get3A_112 : vector<1x128xf32> to vector<1000x128xf32>
    %add3A_114 = arith.addf %dot_general3A_109, %add3A_113 : vector<1000x128xf32>
    %convert_element_type3A_115 = arith.truncf %add3A_114 : vector<1000x128xf32> to vector<1000x128xbf16>
    %swap3A_116 = arith.constant 0 : index
    %swap3A_117 = arith.constant 0 : index
    %swap3A_118 = vector.load %arg19[%swap3A_116, %swap3A_117] : memref<1000x128xbf16, #tpu.memory_space<vmem>>, vector<1000x128xbf16>
    tpu.vector_store %arg19[%swap3A_116, %swap3A_117], %convert_element_type3A_115 {strides = array<i32>} : memref<1000x128xbf16, #tpu.memory_space<vmem>>, vector<1000x128xbf16>,
    %convert_element_type3A_119 = arith.extf %convert_element_type3A_87 : vector<1000x32xbf16> to vector<1000x32xf32>
    %convert_element_type3A_120 = arith.extf %convert_element_type3A_98 : vector<1000x32xbf16> to vector<1000x32xf32>
    %mul3A_121 = arith.mulf %convert_element_type3A_119, %convert_element_type3A_119 : vector<1000x32xf32>
    %reduce_sum3A = arith.constant dense<0.000000e+00> : vector<1000xf32>
    %reduce_sum3A_122 = vector.multi_reduction <add>, %mul3A_121, %reduce_sum3A [1] : vector<1000x32xf32> to vector<1000xf32>
    %reduce_max3A_123 = vector.shape_cast %reduce_sum3A_122 : vector<1000xf32> to vector<1x1000xf32>
    %reduce_max3A_124 = arith.constant dense<0xFF800000> : vector<1xf32>
    %reduce_max3A_125 = vector.multi_reduction <maximumf>, %reduce_max3A_123, %reduce_max3A_124 [1] : vector<1x1000xf32> to vector<1xf32>
    %reduce_max3A_126 = vector.shape_cast %reduce_max3A_125 : vector<1xf32> to vector<1x1xf32>
    %reduce_max3A_127 = vector.extract %reduce_max3A_126[0, 0] : f32 from vector<1x1xf32>
    %mul3A_128 = arith.mulf %convert_element_type3A_120, %convert_element_type3A_120 : vector<1000x32xf32>
    %reduce_sum3A_129 = arith.constant dense<0.000000e+00> : vector<1000xf32>
    %reduce_sum3A_130 = vector.multi_reduction <add>, %mul3A_128, %reduce_sum3A_129 [1] : vector<1000x32xf32> to vector<1000xf32>
    %reduce_max3A_131 = vector.shape_cast %reduce_sum3A_130 : vector<1000xf32> to vector<1x1000xf32>
    %reduce_max3A_132 = arith.constant dense<0xFF800000> : vector<1xf32>
    %reduce_max3A_133 = vector.multi_reduction <maximumf>, %reduce_max3A_131, %reduce_max3A_132 [1] : vector<1x1000xf32> to vector<1xf32>
    %reduce_max3A_134 = vector.shape_cast %reduce_max3A_133 : vector<1xf32> to vector<1x1xf32>
    %reduce_max3A_135 = vector.extract %reduce_max3A_134[0, 0] : f32 from vector<1x1xf32>
    %max3A_136 = arith.maximumf %reduce_max3A_127, %reduce_max3A_135 : f32
    %get3A_137 = arith.constant 0 : index
    %get3A_138 = arith.constant 0 : index
    %get3A_139 = vector.load %arg21[%get3A_137, %get3A_138] : memref<1x128xf32, #tpu.memory_space<vmem>>, vector<1x128xf32>
    %max3A_140 = vector.broadcast %max3A_136 : f32 to vector<1x128xf32>
    %max3A_141 = arith.maximumf %get3A_139, %max3A_140 : vector<1x128xf32>
    %swap3A_142 = arith.constant 0 : index
    %swap3A_143 = arith.constant 0 : index
    %swap3A_144 = vector.load %arg21[%swap3A_142, %swap3A_143] : memref<1x128xf32, #tpu.memory_space<vmem>>, vector<1x128xf32>
    tpu.vector_store %arg21[%swap3A_142, %swap3A_143], %max3A_141 {strides = array<i32>} : memref<1x128xf32, #tpu.memory_space<vmem>>, vector<1x128xf32>,
    %get3A_145 = arith.constant 0 : index
    %get3A_146 = arith.constant 0 : index
    %get3A_147 = vector.load %arg14[%get3A_145, %get3A_146] : memref<32x128xf32, #tpu.memory_space<vmem>>, vector<32x128xf32>
    %dot_general3A_148 = arith.constant dense<0.000000e+00> : vector<1000x32xf32>
    %dot_general3A_149 = tpu.matmul %get3A_73, %get3A_147, %dot_general3A_148 {dimension_numbers = #tpu.dot_dimension_numbers<[1], [1], [0], [0], [0, 0, 1, 0], [], []>, transpose_lhs_hint = false} : vector<1000x128xf32>, vector<32x128xf32>, vector<1000x32xf32> -> vector<1000x32xf32>
    %get3A_150 = arith.constant 0 : index
    %get3A_151 = arith.constant 0 : index
    %get3A_152 = vector.load %arg15[%get3A_150, %get3A_151] : memref<1x32xf32, #tpu.memory_space<vmem>>, vector<1x32xf32>
    %add3A_153 = vector.broadcast %get3A_152 : vector<1x32xf32> to vector<1000x32xf32>
    %add3A_154 = arith.addf %dot_general3A_149, %add3A_153 : vector<1000x32xf32>
    %convert_element_type3A_155 = arith.truncf %add3A_154 : vector<1000x32xf32> to vector<1000x32xbf16>
    %convert_element_type3A_156 = arith.extf %convert_element_type3A_155 : vector<1000x32xbf16> to vector<1000x32xf32>
    %get3A_157 = arith.constant 0 : index
    %get3A_158 = arith.constant 0 : index
    %get3A_159 = vector.load %arg14[%get3A_157, %get3A_158] : memref<32x128xf32, #tpu.memory_space<vmem>>, vector<32x128xf32>
    %dot_general3A_160 = arith.constant dense<0.000000e+00> : vector<1000x32xf32>
    %dot_general3A_161 = tpu.matmul %get3A_76, %get3A_159, %dot_general3A_160 {dimension_numbers = #tpu.dot_dimension_numbers<[1], [1], [0], [0], [0, 0, 1, 0], [], []>, transpose_lhs_hint = false} : vector<1000x128xf32>, vector<32x128xf32>, vector<1000x32xf32> -> vector<1000x32xf32>
    %get3A_162 = arith.constant 0 : index
    %get3A_163 = arith.constant 0 : index
    %get3A_164 = vector.load %arg15[%get3A_162, %get3A_163] : memref<1x32xf32, #tpu.memory_space<vmem>>, vector<1x32xf32>
    %add3A_165 = vector.broadcast %get3A_164 : vector<1x32xf32> to vector<1000x32xf32>
    %add3A_166 = arith.addf %dot_general3A_161, %add3A_165 : vector<1000x32xf32>
    %convert_element_type3A_167 = arith.truncf %add3A_166 : vector<1000x32xf32> to vector<1000x32xbf16>
    %convert_element_type3A_168 = arith.extf %convert_element_type3A_167 : vector<1000x32xbf16> to vector<1000x32xf32>
    %mul3A_169 = arith.mulf %convert_element_type3A_156, %convert_element_type3A_156 : vector<1000x32xf32>
    %reduce_sum3A_170 = arith.constant dense<0.000000e+00> : vector<1000xf32>
    %reduce_sum3A_171 = vector.multi_reduction <add>, %mul3A_169, %reduce_sum3A_170 [1] : vector<1000x32xf32> to vector<1000xf32>
    %reduce_max3A_172 = vector.shape_cast %reduce_sum3A_171 : vector<1000xf32> to vector<1x1000xf32>
    %reduce_max3A_173 = arith.constant dense<0xFF800000> : vector<1xf32>
    %reduce_max3A_174 = vector.multi_reduction <maximumf>, %reduce_max3A_172, %reduce_max3A_173 [1] : vector<1x1000xf32> to vector<1xf32>
    %reduce_max3A_175 = vector.shape_cast %reduce_max3A_174 : vector<1xf32> to vector<1x1xf32>
    %reduce_max3A_176 = vector.extract %reduce_max3A_175[0, 0] : f32 from vector<1x1xf32>
    %mul3A_177 = arith.mulf %convert_element_type3A_168, %convert_element_type3A_168 : vector<1000x32xf32>
    %reduce_sum3A_178 = arith.constant dense<0.000000e+00> : vector<1000xf32>
    %reduce_sum3A_179 = vector.multi_reduction <add>, %mul3A_177, %reduce_sum3A_178 [1] : vector<1000x32xf32> to vector<1000xf32>
    %reduce_max3A_180 = vector.shape_cast %reduce_sum3A_179 : vector<1000xf32> to vector<1x1000xf32>
    %reduce_max3A_181 = arith.constant dense<0xFF800000> : vector<1xf32>
    %reduce_max3A_182 = vector.multi_reduction <maximumf>, %reduce_max3A_180, %reduce_max3A_181 [1] : vector<1x1000xf32> to vector<1xf32>
    %reduce_max3A_183 = vector.shape_cast %reduce_max3A_182 : vector<1xf32> to vector<1x1xf32>
    %reduce_max3A_184 = vector.extract %reduce_max3A_183[0, 0] : f32 from vector<1x1xf32>
    %max3A_185 = arith.maximumf %reduce_max3A_176, %reduce_max3A_184 : f32
    %get3A_186 = arith.constant 0 : index
    %get3A_187 = arith.constant 0 : index
    %get3A_188 = vector.load %arg22[%get3A_186, %get3A_187] : memref<1x128xf32, #tpu.memory_space<vmem>>, vector<1x128xf32>
    %max3A_189 = vector.broadcast %max3A_185 : f32 to vector<1x128xf32>
    %max3A_190 = arith.maximumf %get3A_188, %max3A_189 : vector<1x128xf32>
    %swap3A_191 = arith.constant 0 : index
    %swap3A_192 = arith.constant 0 : index
    %swap3A_193 = vector.load %arg22[%swap3A_191, %swap3A_192] : memref<1x128xf32, #tpu.memory_space<vmem>>, vector<1x128xf32>
    tpu.vector_store %arg22[%swap3A_191, %swap3A_192], %max3A_190 {strides = array<i32>} : memref<1x128xf32, #tpu.memory_space<vmem>>, vector<1x128xf32>,
    return
  }
  func.func @transform_0(%arg0: i32) -> (i32, i32) {
    %c0_i32 = arith.constant 0 : i32
    %c0_i32_0 = arith.constant 0 : i32
    return %arg0, %c0_i32 : i32, i32
  }
  func.func @transform_1(%arg0: i32) -> (i32, i32) {
    %c0_i32 = arith.constant 0 : i32
    %c0_i32_0 = arith.constant 0 : i32
    return %arg0, %c0_i32 : i32, i32
  }
  func.func @transform_2(%arg0: i32) -> (i32, i32) {
    %c0_i32 = arith.constant 0 : i32
    %c0_i32_0 = arith.constant 0 : i32
    return %arg0, %c0_i32 : i32, i32
  }
  func.func @transform_3(%arg0: i32) -> (i32, i32) {
    %c0_i32 = arith.constant 0 : i32
    %c0_i32_0 = arith.constant 0 : i32
    return %arg0, %c0_i32 : i32, i32
  }
  func.func @transform_4(%arg0: i32) -> (i32, i32) {
    %c0_i32 = arith.constant 0 : i32
    %c0_i32_0 = arith.constant 0 : i32
    return %arg0, %c0_i32 : i32, i32
  }
  func.func @transform_5(%arg0: i32) -> (i32, i32) {
    %c0_i32 = arith.constant 0 : i32
    %c0_i32_0 = arith.constant 0 : i32
    %c0_i32_1 = arith.constant 0 : i32
    return %c0_i32, %c0_i32_0 : i32, i32
  }
  func.func @transform_6(%arg0: i32) -> (i32, i32) {
    %c0_i32 = arith.constant 0 : i32
    %c0_i32_0 = arith.constant 0 : i32
    %c0_i32_1 = arith.constant 0 : i32
    return %c0_i32, %c0_i32_0 : i32, i32
  }
  func.func @transform_7(%arg0: i32) -> (i32, i32) {
    %c0_i32 = arith.constant 0 : i32
    %c0_i32_0 = arith.constant 0 : i32
    %c0_i32_1 = arith.constant 0 : i32
    return %c0_i32, %c0_i32_0 : i32, i32
  }
  func.func @transform_8(%arg0: i32) -> (i32, i32) {
    %c0_i32 = arith.constant 0 : i32
    %c0_i32_0 = arith.constant 0 : i32
    %c0_i32_1 = arith.constant 0 : i32
    return %c0_i32, %c0_i32_0 : i32, i32
  }
  func.func @transform_9(%arg0: i32) -> (i32, i32) {
    %c0_i32 = arith.constant 0 : i32
    %c0_i32_0 = arith.constant 0 : i32
    %c0_i32_1 = arith.constant 0 : i32
    return %c0_i32, %c0_i32_0 : i32, i32
  }
  func.func @transform_10(%arg0: i32) -> (i32, i32) {
    %c0_i32 = arith.constant 0 : i32
    %c0_i32_0 = arith.constant 0 : i32
    %c0_i32_1 = arith.constant 0 : i32
    return %c0_i32, %c0_i32_0 : i32, i32
  }
  func.func @transform_11(%arg0: i32) -> (i32, i32) {
    %c0_i32 = arith.constant 0 : i32
    %c0_i32_0 = arith.constant 0 : i32
    %c0_i32_1 = arith.constant 0 : i32
    return %c0_i32, %c0_i32_0 : i32, i32
  }
  func.func @transform_12(%arg0: i32) -> (i32, i32) {
    %c0_i32 = arith.constant 0 : i32
    %c0_i32_0 = arith.constant 0 : i32
    %c0_i32_1 = arith.constant 0 : i32
    return %c0_i32, %c0_i32_0 : i32, i32
  }
  func.func @transform_13(%arg0: i32) -> (i32, i32) {
    %c0_i32 = arith.constant 0 : i32
    %c0_i32_0 = arith.constant 0 : i32
    %c0_i32_1 = arith.constant 0 : i32
    return %c0_i32, %c0_i32_0 : i32, i32
  }
  func.func @transform_14(%arg0: i32) -> (i32, i32) {
    %c0_i32 = arith.constant 0 : i32
    %c0_i32_0 = arith.constant 0 : i32
    %c0_i32_1 = arith.constant 0 : i32
    return %c0_i32, %c0_i32_0 : i32, i32
  }
  func.func @transform_15(%arg0: i32) -> (i32, i32) {
    %c0_i32 = arith.constant 0 : i32
    %c0_i32_0 = arith.constant 0 : i32
    return %arg0, %c0_i32 : i32, i32
  }
  func.func @transform_16(%arg0: i32) -> (i32, i32) {
    %c0_i32 = arith.constant 0 : i32
    %c0_i32_0 = arith.constant 0 : i32
    return %arg0, %c0_i32 : i32, i32
  }
  func.func @transform_17(%arg0: i32) -> (i32, i32) {
    %c0_i32 = arith.constant 0 : i32
    %c0_i32_0 = arith.constant 0 : i32
    return %arg0, %c0_i32 : i32, i32
  }
  func.func @transform_18(%arg0: i32) -> (i32, i32) {
    %c0_i32 = arith.constant 0 : i32
    %c0_i32_0 = arith.constant 0 : i32
    return %arg0, %c0_i32 : i32, i32
  }
  func.func @transform_19(%arg0: i32) -> (i32, i32) {
    %c0_i32 = arith.constant 0 : i32
    %c0_i32_0 = arith.constant 0 : i32
    %c0_i32_1 = arith.constant 0 : i32
    return %c0_i32, %c0_i32_0 : i32, i32
  }
  func.func @transform_20(%arg0: i32) -> (i32, i32) {
    %c0_i32 = arith.constant 0 : i32
    %c0_i32_0 = arith.constant 0 : i32
    %c0_i32_1 = arith.constant 0 : i32
    return %c0_i32, %c0_i32_0 : i32, i32
  }
  func.func @transform_21(%arg0: i32) -> (i32, i32) {
    %c0_i32 = arith.constant 0 : i32
    %c0_i32_0 = arith.constant 0 : i32
    %c0_i32_1 = arith.constant 0 : i32
    return %c0_i32, %c0_i32_0 : i32, i32
  }
}

module attributes {stable_mosaic.version = 14 : i64} {
  func.func @_att_kernel(%arg0: i32, %arg1: memref<16xi32, #tpu.memory_space<smem>>, %arg2: memref<320x128xf32, #tpu.memory_space<vmem>>, %arg3: memref<5000x32xbf16, #tpu.memory_space<vmem>>, %arg4: memref<5000x32xbf16, #tpu.memory_space<vmem>>, %arg5: memref<5000x128xbf16, #tpu.memory_space<vmem>>, %arg6: memref<1x5000xf32, #tpu.memory_space<vmem>>, %arg7: memref<1x5000xf32, #tpu.memory_space<vmem>>, %arg8: memref<1x128xf32, #tpu.memory_space<vmem>>, %arg9: memref<32x128xf32, #tpu.memory_space<vmem>>, %arg10: memref<1x32xf32, #tpu.memory_space<vmem>>, %arg11: memref<320x128xf32, #tpu.memory_space<vmem>>, %arg12: memref<1x128xf32, #tpu.memory_space<vmem>>, %arg13: memref<1x128xf32, #tpu.memory_space<vmem>>) attributes {dimension_semantics = [#tpu.dimension_semantics<arbitrary>], iteration_bounds = array<i64: 32>, scalar_prefetch = 1 : i64, scratch_operands = 0 : i64, tpu.core_type = #tpu.core_type<tc>, window_params = [{transform_indices = @transform_0, window_bounds = array<i64: 320, 128>}, {pipeline_mode = #tpu.pipeline_mode<synchronous>, transform_indices = @transform_1, window_bounds = array<i64: 5000, 32>}, {pipeline_mode = #tpu.pipeline_mode<synchronous>, transform_indices = @transform_2, window_bounds = array<i64: 5000, 32>}, {pipeline_mode = #tpu.pipeline_mode<synchronous>, transform_indices = @transform_3, window_bounds = array<i64: 5000, 128>}, {pipeline_mode = #tpu.pipeline_mode<synchronous>, transform_indices = @transform_4, window_bounds = array<i64: 1, 5000>}, {pipeline_mode = #tpu.pipeline_mode<synchronous>, transform_indices = @transform_5, window_bounds = array<i64: 1, 5000>}, {pipeline_mode = #tpu.pipeline_mode<synchronous>, transform_indices = @transform_6, window_bounds = array<i64: 1, 128>}, {pipeline_mode = #tpu.pipeline_mode<synchronous>, transform_indices = @transform_7, window_bounds = array<i64: 32, 128>}, {pipeline_mode = #tpu.pipeline_mode<synchronous>, transform_indices = @transform_8, window_bounds = array<i64: 1, 32>}, {transform_indices = @transform_9, window_bounds = array<i64: 320, 128>}, {pipeline_mode = #tpu.pipeline_mode<synchronous>, transform_indices = @transform_10, window_bounds = array<i64: 1, 128>}, {pipeline_mode = #tpu.pipeline_mode<synchronous>, transform_indices = @transform_11, window_bounds = array<i64: 1, 128>}]} {
    %get3A = arith.constant 0 : index
    %get3A_0 = memref.load %arg1[%get3A] : memref<16xi32, #tpu.memory_space<smem>>
    %sqrt3A = arith.constant 3.200000e+01 : f32
    %sqrt3A_1 = math.sqrt %sqrt3A : f32
    %div3A = arith.constant 1.000000e+00 : f32
    %div3A_2 = arith.divf %div3A, %sqrt3A_1 : f32
    %eq3A = arith.constant 0 : i32
    %eq3A_3 = arith.cmpi eq, %arg0, %eq3A : i32
    %convert_element_type3A = arith.extui %eq3A_3 : i1 to i32
    %cond3A = arith.constant 0 : i32
    %cond3A_4 = arith.cmpi ne, %convert_element_type3A, %cond3A : i32
    scf.if %cond3A_4 {
      %broadcast_in_dim3A = arith.constant 0xFF800000 : f32
      %broadcast_in_dim3A_14 = vector.broadcast %broadcast_in_dim3A : f32 to vector<1x128xf32>
      %swap3A = arith.constant 0 : index
      %swap3A_15 = arith.constant 0 : index
      %swap3A_16 = vector.load %arg12[%swap3A, %swap3A_15] : memref<1x128xf32, #tpu.memory_space<vmem>>, vector<1x128xf32>
      tpu.vector_store %arg12[%swap3A, %swap3A_15], %broadcast_in_dim3A_14 {strides = array<i32>} : memref<1x128xf32, #tpu.memory_space<vmem>>, vector<1x128xf32>,
    } else {
    }
    %mul3A = arith.constant 320 : i32
    %mul3A_5 = arith.muli %arg0, %mul3A : i32
    %lt3A = arith.cmpi slt, %mul3A_5, %get3A_0 : i32
    %convert_element_type3A_6 = arith.extui %lt3A : i1 to i32
    %cond3A_7 = arith.constant 0 : i32
    %cond3A_8 = arith.cmpi ne, %convert_element_type3A_6, %cond3A_7 : i32
    scf.if %cond3A_8 {
      %get3A_14 = arith.constant 0 : index
      %get3A_15 = arith.constant 0 : index
      %get3A_16 = vector.load %arg2[%get3A_14, %get3A_15] : memref<320x128xf32, #tpu.memory_space<vmem>>, vector<320x128xf32>
      %get3A_17 = arith.constant 0 : index
      %get3A_18 = arith.constant 0 : index
      %get3A_19 = vector.load %arg9[%get3A_17, %get3A_18] : memref<32x128xf32, #tpu.memory_space<vmem>>, vector<32x128xf32>
      %dot_general3A = arith.constant dense<0.000000e+00> : vector<320x32xf32>
      %dot_general3A_20 = tpu.matmul %get3A_16, %get3A_19, %dot_general3A {dimension_numbers = #tpu.dot_dimension_numbers<[1], [1], [0], [0], [0, 0, 1, 0], [], []>, transpose_lhs_hint = false} : vector<320x128xf32>, vector<32x128xf32>, vector<320x32xf32> -> vector<320x32xf32>
      %get3A_21 = arith.constant 0 : index
      %get3A_22 = arith.constant 0 : index
      %get3A_23 = vector.load %arg10[%get3A_21, %get3A_22] : memref<1x32xf32, #tpu.memory_space<vmem>>, vector<1x32xf32>
      %add3A = vector.broadcast %get3A_23 : vector<1x32xf32> to vector<320x32xf32>
      %add3A_24 = arith.addf %dot_general3A_20, %add3A : vector<320x32xf32>
      %convert_element_type3A_25 = arith.truncf %add3A_24 : vector<320x32xf32> to vector<320x32xbf16>
      %get3A_26 = arith.constant 0 : index
      %get3A_27 = arith.constant 0 : index
      %get3A_28 = vector.load %arg3[%get3A_26, %get3A_27] : memref<5000x32xbf16, #tpu.memory_space<vmem>>, vector<5000x32xbf16>
      %dot_general3A_29 = arith.constant dense<0.000000e+00> : vector<320x5000xf32>
      %dot_general3A_30 = tpu.matmul %convert_element_type3A_25, %get3A_28, %dot_general3A_29 {dimension_numbers = #tpu.dot_dimension_numbers<[1], [1], [0], [0], [0, 0, 1, 0], [], []>, transpose_lhs_hint = false} : vector<320x32xbf16>, vector<5000x32xbf16>, vector<320x5000xf32> -> vector<320x5000xf32>
      %mul3A_31 = vector.broadcast %div3A_2 : f32 to vector<320x5000xf32>
      %mul3A_32 = arith.mulf %dot_general3A_30, %mul3A_31 : vector<320x5000xf32>
      %get3A_33 = arith.constant 0 : index
      %get3A_34 = arith.constant 0 : index
      %get3A_35 = vector.load %arg6[%get3A_33, %get3A_34] : memref<1x5000xf32, #tpu.memory_space<vmem>>, vector<1x5000xf32>
      %add3A_36 = vector.broadcast %get3A_35 : vector<1x5000xf32> to vector<320x5000xf32>
      %add3A_37 = arith.addf %mul3A_32, %add3A_36 : vector<320x5000xf32>
      %exp3A = math.exp %add3A_37 : vector<320x5000xf32>
      %get3A_38 = arith.constant 0 : index
      %get3A_39 = arith.constant 0 : index
      %get3A_40 = vector.load %arg4[%get3A_38, %get3A_39] : memref<5000x32xbf16, #tpu.memory_space<vmem>>, vector<5000x32xbf16>
      %dot_general3A_41 = arith.constant dense<0.000000e+00> : vector<320x5000xf32>
      %dot_general3A_42 = tpu.matmul %convert_element_type3A_25, %get3A_40, %dot_general3A_41 {dimension_numbers = #tpu.dot_dimension_numbers<[1], [1], [0], [0], [0, 0, 1, 0], [], []>, transpose_lhs_hint = false} : vector<320x32xbf16>, vector<5000x32xbf16>, vector<320x5000xf32> -> vector<320x5000xf32>
      %mul3A_43 = vector.broadcast %div3A_2 : f32 to vector<320x5000xf32>
      %mul3A_44 = arith.mulf %dot_general3A_42, %mul3A_43 : vector<320x5000xf32>
      %get3A_45 = arith.constant 0 : index
      %get3A_46 = arith.constant 0 : index
      %get3A_47 = vector.load %arg7[%get3A_45, %get3A_46] : memref<1x5000xf32, #tpu.memory_space<vmem>>, vector<1x5000xf32>
      %add3A_48 = vector.broadcast %get3A_47 : vector<1x5000xf32> to vector<320x5000xf32>
      %add3A_49 = arith.addf %mul3A_44, %add3A_48 : vector<320x5000xf32>
      %exp3A_50 = math.exp %add3A_49 : vector<320x5000xf32>
      %add3A_51 = arith.addf %exp3A, %exp3A_50 : vector<320x5000xf32>
      %reduce_sum3A = arith.constant dense<0.000000e+00> : vector<320xf32>
      %reduce_sum3A_52 = vector.multi_reduction <add>, %add3A_51, %reduce_sum3A [1] : vector<320x5000xf32> to vector<320xf32>
      %broadcast_in_dim3A = vector.shape_cast %reduce_sum3A_52 : vector<320xf32> to vector<320x1xf32>
      %convert_element_type3A_53 = arith.truncf %add3A_51 : vector<320x5000xf32> to vector<320x5000xbf16>
      %get3A_54 = arith.constant 0 : index
      %get3A_55 = arith.constant 0 : index
      %get3A_56 = vector.load %arg5[%get3A_54, %get3A_55] : memref<5000x128xbf16, #tpu.memory_space<vmem>>, vector<5000x128xbf16>
      %dot_general3A_57 = arith.constant dense<0.000000e+00> : vector<320x128xf32>
      %dot_general3A_58 = tpu.matmul %convert_element_type3A_53, %get3A_56, %dot_general3A_57 {dimension_numbers = #tpu.dot_dimension_numbers<[1], [0], [0], [1], [0, 0, 1, 1], [], []>, transpose_lhs_hint = false} : vector<320x5000xbf16>, vector<5000x128xbf16>, vector<320x128xf32> -> vector<320x128xf32>
      %div3A_59 = vector.broadcast %broadcast_in_dim3A : vector<320x1xf32> to vector<320x128xf32>
      %div3A_60 = arith.divf %dot_general3A_58, %div3A_59 : vector<320x128xf32>
      %tanh3A = math.tanh %div3A_60 : vector<320x128xf32>
      %swap3A = arith.constant 0 : index
      %swap3A_61 = arith.constant 0 : index
      %swap3A_62 = vector.load %arg11[%swap3A, %swap3A_61] : memref<320x128xf32, #tpu.memory_space<vmem>>, vector<320x128xf32>
      tpu.vector_store %arg11[%swap3A, %swap3A_61], %tanh3A {strides = array<i32>} : memref<320x128xf32, #tpu.memory_space<vmem>>, vector<320x128xf32>,
      %mul3A_63 = arith.constant 320 : i32
      %mul3A_64 = arith.muli %arg0, %mul3A_63 : i32
      %iota3A = tpu.iota {dimensions = array<i32: 0>} : vector<320x1xi32>
      %add3A_65 = vector.broadcast %mul3A_64 : i32 to vector<320x1xi32>
      %add3A_66 = arith.addi %add3A_65, %iota3A : vector<320x1xi32>
      %lt3A_67 = vector.broadcast %get3A_0 : i32 to vector<320x1xi32>
      %lt3A_68 = arith.cmpi slt, %add3A_66, %lt3A_67 : vector<320x1xi32>
      %jit3A = arith.constant 0xFF800000 : f32
      %broadcast_in_dim3A_69 = vector.shape_cast %lt3A_68 : vector<320x1xi1> to vector<320x1xi1>
      %broadcast_in_dim3A_70 = vector.broadcast %broadcast_in_dim3A_69 : vector<320x1xi1> to vector<320x128xi1>
      %broadcast_in_dim3A_71 = vector.broadcast %jit3A : f32 to vector<320x128xf32>
      %select_n3A = arith.select %broadcast_in_dim3A_70, %tanh3A, %broadcast_in_dim3A_71 : vector<320x128xi1>, vector<320x128xf32>
      %reduce_max3A = arith.constant dense<0xFF800000> : vector<128xf32>
      %reduce_max3A_72 = vector.multi_reduction <maximumf>, %select_n3A, %reduce_max3A [0] : vector<320x128xf32> to vector<128xf32>
      %broadcast_in_dim3A_73 = vector.shape_cast %reduce_max3A_72 : vector<128xf32> to vector<1x128xf32>
      %get3A_74 = arith.constant 0 : index
      %get3A_75 = arith.constant 0 : index
      %get3A_76 = vector.load %arg12[%get3A_74, %get3A_75] : memref<1x128xf32, #tpu.memory_space<vmem>>, vector<1x128xf32>
      %max3A = arith.maximumf %get3A_76, %broadcast_in_dim3A_73 : vector<1x128xf32>
      %swap3A_77 = arith.constant 0 : index
      %swap3A_78 = arith.constant 0 : index
      %swap3A_79 = vector.load %arg12[%swap3A_77, %swap3A_78] : memref<1x128xf32, #tpu.memory_space<vmem>>, vector<1x128xf32>
      tpu.vector_store %arg12[%swap3A_77, %swap3A_78], %max3A {strides = array<i32>} : memref<1x128xf32, #tpu.memory_space<vmem>>, vector<1x128xf32>,
    } else {
    }
    %eq3A_9 = arith.constant 31 : i32
    %eq3A_10 = arith.cmpi eq, %arg0, %eq3A_9 : i32
    %convert_element_type3A_11 = arith.extui %eq3A_10 : i1 to i32
    %cond3A_12 = arith.constant 0 : i32
    %cond3A_13 = arith.cmpi ne, %convert_element_type3A_11, %cond3A_12 : i32
    scf.if %cond3A_13 {
      %get3A_14 = arith.constant 0 : index
      %get3A_15 = arith.constant 0 : index
      %get3A_16 = vector.load %arg8[%get3A_14, %get3A_15] : memref<1x128xf32, #tpu.memory_space<vmem>>, vector<1x128xf32>
      %get3A_17 = arith.constant 0 : index
      %get3A_18 = arith.constant 0 : index
      %get3A_19 = vector.load %arg12[%get3A_17, %get3A_18] : memref<1x128xf32, #tpu.memory_space<vmem>>, vector<1x128xf32>
      %reduce_max3A = vector.shape_cast %get3A_16 : vector<1x128xf32> to vector<1x1x128xf32>
      %reduce_max3A_20 = arith.constant dense<0xFF800000> : vector<1xf32>
      %reduce_max3A_21 = vector.multi_reduction <maximumf>, %reduce_max3A, %reduce_max3A_20 [1, 2] : vector<1x1x128xf32> to vector<1xf32>
      %reduce_max3A_22 = vector.shape_cast %reduce_max3A_21 : vector<1xf32> to vector<1x1x1xf32>
      %reduce_max3A_23 = vector.extract %reduce_max3A_22[0, 0, 0] : f32 from vector<1x1x1xf32>
      %is_finite3A = tpu.weird %reduce_max3A_23 : f32 -> i1
      %is_finite3A_24 = arith.constant true
      %is_finite3A_25 = arith.xori %is_finite3A, %is_finite3A_24 : i1
      %reduce_max3A_26 = vector.shape_cast %get3A_19 : vector<1x128xf32> to vector<1x1x128xf32>
      %reduce_max3A_27 = arith.constant dense<0xFF800000> : vector<1xf32>
      %reduce_max3A_28 = vector.multi_reduction <maximumf>, %reduce_max3A_26, %reduce_max3A_27 [1, 2] : vector<1x1x128xf32> to vector<1xf32>
      %reduce_max3A_29 = vector.shape_cast %reduce_max3A_28 : vector<1xf32> to vector<1x1x1xf32>
      %reduce_max3A_30 = vector.extract %reduce_max3A_29[0, 0, 0] : f32 from vector<1x1x1xf32>
      %is_finite3A_31 = tpu.weird %reduce_max3A_30 : f32 -> i1
      %is_finite3A_32 = arith.constant true
      %is_finite3A_33 = arith.xori %is_finite3A_31, %is_finite3A_32 : i1
      %not3A = arith.constant true
      %not3A_34 = arith.xori %is_finite3A_25, %not3A : i1
      %not3A_35 = arith.constant true
      %not3A_36 = arith.xori %is_finite3A_33, %not3A_35 : i1
      %max3A = arith.maximumf %get3A_16, %get3A_19 : vector<1x128xf32>
      %select_n3A = arith.select %not3A_36, %get3A_16, %max3A : vector<1x128xf32>
      %select_n3A_37 = arith.select %not3A_34, %get3A_19, %select_n3A : vector<1x128xf32>
      %swap3A = arith.constant 0 : index
      %swap3A_38 = arith.constant 0 : index
      %swap3A_39 = vector.load %arg13[%swap3A, %swap3A_38] : memref<1x128xf32, #tpu.memory_space<vmem>>, vector<1x128xf32>
      tpu.vector_store %arg13[%swap3A, %swap3A_38], %select_n3A_37 {strides = array<i32>} : memref<1x128xf32, #tpu.memory_space<vmem>>, vector<1x128xf32>,
    } else {
    }
    return
  }
  func.func @transform_0(%arg0: i32, %arg1: memref<16xi32, #tpu.memory_space<smem>>) -> (i32, i32) {
    %c0_i32 = arith.constant 0 : i32
    %c0_i32_0 = arith.constant 0 : i32
    return %arg0, %c0_i32 : i32, i32
  }
  func.func @transform_1(%arg0: i32, %arg1: memref<16xi32, #tpu.memory_space<smem>>) -> (i32, i32) {
    %c0_i32 = arith.constant 0 : i32
    %c0_i32_0 = arith.constant 0 : i32
    %c0_i32_1 = arith.constant 0 : i32
    return %c0_i32, %c0_i32_0 : i32, i32
  }
  func.func @transform_2(%arg0: i32, %arg1: memref<16xi32, #tpu.memory_space<smem>>) -> (i32, i32) {
    %c0_i32 = arith.constant 0 : i32
    %c0_i32_0 = arith.constant 0 : i32
    %c0_i32_1 = arith.constant 0 : i32
    return %c0_i32, %c0_i32_0 : i32, i32
  }
  func.func @transform_3(%arg0: i32, %arg1: memref<16xi32, #tpu.memory_space<smem>>) -> (i32, i32) {
    %c0_i32 = arith.constant 0 : i32
    %c0_i32_0 = arith.constant 0 : i32
    %c0_i32_1 = arith.constant 0 : i32
    return %c0_i32, %c0_i32_0 : i32, i32
  }
  func.func @transform_4(%arg0: i32, %arg1: memref<16xi32, #tpu.memory_space<smem>>) -> (i32, i32) {
    %c0_i32 = arith.constant 0 : i32
    %c0_i32_0 = arith.constant 0 : i32
    %c0_i32_1 = arith.constant 0 : i32
    return %c0_i32, %c0_i32_0 : i32, i32
  }
  func.func @transform_5(%arg0: i32, %arg1: memref<16xi32, #tpu.memory_space<smem>>) -> (i32, i32) {
    %c0_i32 = arith.constant 0 : i32
    %c0_i32_0 = arith.constant 0 : i32
    %c0_i32_1 = arith.constant 0 : i32
    return %c0_i32, %c0_i32_0 : i32, i32
  }
  func.func @transform_6(%arg0: i32, %arg1: memref<16xi32, #tpu.memory_space<smem>>) -> (i32, i32) {
    %c0_i32 = arith.constant 0 : i32
    %c0_i32_0 = arith.constant 0 : i32
    %c0_i32_1 = arith.constant 0 : i32
    return %c0_i32, %c0_i32_0 : i32, i32
  }
  func.func @transform_7(%arg0: i32, %arg1: memref<16xi32, #tpu.memory_space<smem>>) -> (i32, i32) {
    %c0_i32 = arith.constant 0 : i32
    %c0_i32_0 = arith.constant 0 : i32
    %c0_i32_1 = arith.constant 0 : i32
    return %c0_i32, %c0_i32_0 : i32, i32
  }
  func.func @transform_8(%arg0: i32, %arg1: memref<16xi32, #tpu.memory_space<smem>>) -> (i32, i32) {
    %c0_i32 = arith.constant 0 : i32
    %c0_i32_0 = arith.constant 0 : i32
    %c0_i32_1 = arith.constant 0 : i32
    return %c0_i32, %c0_i32_0 : i32, i32
  }
  func.func @transform_9(%arg0: i32, %arg1: memref<16xi32, #tpu.memory_space<smem>>) -> (i32, i32) {
    %c0_i32 = arith.constant 0 : i32
    %c0_i32_0 = arith.constant 0 : i32
    return %arg0, %c0_i32 : i32, i32
  }
  func.func @transform_10(%arg0: i32, %arg1: memref<16xi32, #tpu.memory_space<smem>>) -> (i32, i32) {
    %c0_i32 = arith.constant 0 : i32
    %c0_i32_0 = arith.constant 0 : i32
    %c0_i32_1 = arith.constant 0 : i32
    return %c0_i32, %c0_i32_0 : i32, i32
  }
  func.func @transform_11(%arg0: i32, %arg1: memref<16xi32, #tpu.memory_space<smem>>) -> (i32, i32) {
    %c0_i32 = arith.constant 0 : i32
    %c0_i32_0 = arith.constant 0 : i32
    %c0_i32_1 = arith.constant 0 : i32
    return %c0_i32, %c0_i32_0 : i32, i32
  }
}

</mosaic_0001>

<sc_bundles>
// kernel: kernel.10.cloned.1.call-start
scs
__scs_entry_jumppad:
0x0: {  	(pc) =	sbr.rel $0x88, $3  }
0x1: {  	(tag) =	ssettag $0x0;
	lr =	simm.s32 $0x1  }
0x2: {  	[smem:$0x3F91] =	sst lr;
	_ =	strace $0xD0000000  }
0x3: {  	_ = 	snop  }
0x4: {  	_ = 	snop  }
0x5: {  	_ = 	snop  }
0x6: {  	_ = 	snop  }
0x7: {  	_ = 	snop  }
__scs_overlays_trampoline_lowered:
0x8: {  	[smem:$0x3FA0] =	sst s0  }
0x9: {  	[smem:$0x3FA1] =	sst s1  }
0xa: {  	[smem:$0x3FA2] =	sst s2  }
0xb: {  	[smem:$0x3FA3] =	sst s3  }
0xc: {  	[smem:$0x3FA4] =	sst s4  }
0xd: {  	[smem:$0x3FA5] =	sst s5  }
0xe: {  	[smem:$0x3FA6] =	sst s6  }
0xf: {  	[smem:$0x3FA7] =	sst s7  }
0x10: {  	[smem:$0x3FA8] =	sst s8  }
0x11: {  	[smem:$0x3FA9] =	sst s9;
	s0 =	simm.s32 @!p0 $0x0  }
0x12: {  	s1 =	sld [smem:$0x3F8F];
	s0 =	simm.s32 @p0 $0x1  }
0x13: {  	[smem:$0x3FAA] =	sst s0;
	s0 =	simm.s32 @!p1 $0x0  }
0x14: {  	s2 =	sld [smem:$0x3F8E];
	s0 =	simm.s32 @p1 $0x1  }
0x15: {  	[smem:$0x3FAB] =	sst s0;
	s0 =	simm.s32 @!p2 $0x0  }
0x16: {  	s3 =	sld [smem:$0x3FDB];
	s0 =	simm.s32 @p2 $0x1  }
0x17: {  	s4 =	simm.s32 $0x1BF5;
	[smem:$0x3FAD] =	sst s0  }
0x18: {  	s0 =	sld [smem:$0x3F90];
	_ =	swait.ge [sflag:s4], $0x0  }
0x19: {  	s7 =	sld [smem:$0x3F91]  }
0x1a: {  	s8 =	sadd.s32 $0xFFFFE003, lr  }
0x1b: {  	s9 =	sadd.s32 $0xFFFFFEF7, lr;
	s5 =	simm.s32 $0xFFFFFFFF;
	p2 =	slt.u32 s8, $0xFFFFF086  }
0x1c: {  	p1 =	slt.u32 s9, $0xF7A;
	s5 =	simm.s32 @!p2 $0x0  }
0x1d: {  	s5 =	simm.s32 @p1 $0x1;
	p0 =	seq.s32 s7, s2  }
0x1e: {  	s7 =	smul.u32 @!p0 $0xF7A, s2;
	p2 =	seq.s32 @!p0 s5, $0x0  }
0x1f: {  	s9 =	smul.u32 $0xF7A, s1;
	s8 =	simm.s32 @!p0 $0x1BF5;
	p2 =	por !p2, p0  }
0x20: {  	[sflag:s8] =	ssyncset.s32 @!p0 $0xFFFFF086;
	s6 =	sadd.s32 @!p0 s3, s7;
	s7 =	simm.s32 @!p0 $0x108  }
0x21: {  	s3 =	sadd.s32 s3, s9;
	s6 =	sadd.s32 @!p0 $0x88, s6;
	s7 =	simm.s32 @p2 $0x1082  }
0x22: {  	[simem:s7], [sflag:s8] =	dma.local @!p0 [hbm:s6], $0xF7A  }
0x23: {  	s9 =	sor.u32 $0xD0000000, s2;
	s6 =	simm.s32 $0x108;
	_ =	swait.ge @!p0 [sflag:s8], $0x0  }
0x24: {  	s3 =	sadd.s32 $0x88, s3;
	s6 =	simm.s32 @!p1 $0x1082;
	[sflag:s4] =	ssyncset.s32 $0xFFFFF086  }
0x25: {  	[simem:s6], [sflag:s4] =	dma.local [hbm:s3], $0xF7A  }
0x26: {  	[smem:$0x3F91] =	sst s1;
	(tag) =	ssettag s2;
	_ =	strace s9  }
0x27: {  	s1 =	sld [smem:$0x3FA1]  }
0x28: {  	s2 =	sld [smem:$0x3FA2]  }
0x29: {  	s4 =	sld [smem:$0x3FA4]  }
0x2a: {  	p0 =	seq.s32 s5, $0x0;
	s5 =	sld [smem:$0x3FA5]  }
0x2b: {  	s6 =	sld [smem:$0x3FA6]  }
0x2c: {  	s7 =	sld [smem:$0x3FA7]  }
0x2d: {  	s3 =	simm.s32 $0x108;
	s8 =	sld [smem:$0x3FA8]  }
0x2e: {  	s3 =	simm.s32 @!p0 $0x1082;
	s9 =	sld [smem:$0x3FA9]  }
0x2f: {  	lr =	sadd.s32 s0, s3;
	s0 =	sld [smem:$0x3FA0]  }
0x30: {  	s3 =	sld [smem:$0x3FA3]  }
0x31: {  	[smem:$0x3FAC] =	sst s10  }
0x32: {  	s10 =	sld [smem:$0x3FAA];
	_ =	sdelay $0x3  }
0x33: {  	p0 =	seq.s32 s10, $0x1;
	s10 =	sld [smem:$0x3FAC];
	_ =	sdelay $0x3  }
0x34: {  	[smem:$0x3FAC] =	sst s10  }
0x35: {  	s10 =	sld [smem:$0x3FAB];
	_ =	sdelay $0x3  }
0x36: {  	p1 =	seq.s32 s10, $0x1;
	s10 =	sld [smem:$0x3FAC];
	_ =	sdelay $0x3  }
0x37: {  	[smem:$0x3FAC] =	sst s10  }
0x38: {  	s10 =	sld [smem:$0x3FAD]  }
0x39: {  	_ = 	snop;
	(pc) =	sbr.ind lr, $3  }
0x3a: {  	_ = 	snop  }
0x3b: {  	_ = 	snop  }
0x3c: {  	p2 =	seq.s32 s10, $0x1;
	s10 =	sld [smem:$0x3FAC]  }
0x3d: {  	_ =	shalt  }
0x3e: {  	_ =	shalt  }
0x3f: {  	_ =	shalt  }
0x40: {  	_ =	shalt  }
0x41: {  	_ =	shalt  }
0x42: {  	_ =	shalt  }
0x43: {  	_ =	shalt  }
0x44: {  	_ =	shalt  }
0x45: {  	_ =	shalt  }
0x46: {  	_ =	shalt  }
0x47: {  	_ =	shalt  }
0x48: {  	_ =	shalt  }
0x49: {  	_ =	shalt  }
0x4a: {  	_ =	shalt  }
0x4b: {  	_ =	shalt  }
0x4c: {  	_ =	shalt  }
0x4d: {  	_ =	shalt  }
0x4e: {  	_ =	shalt  }
0x4f: {  	_ =	shalt  }
0x50: {  	_ =	shalt  }
0x51: {  	_ =	shalt  }
0x52: {  	_ =	shalt  }
0x53: {  	_ =	shalt  }
0x54: {  	_ =	shalt  }
0x55: {  	_ =	shalt  }
0x56: {  	_ =	shalt  }
0x57: {  	_ =	shalt  }
0x58: {  	_ =	shalt  }
0x59: {  	_ =	shalt  }
0x5a: {  	_ =	shalt  }
0x5b: {  	_ =	shalt  }
0x5c: {  	_ =	shalt  }
0x5d: {  	_ =	shalt  }
0x5e: {  	_ =	shalt  }
0x5f: {  	_ =	shalt  }
0x60: {  	_ =	shalt  }
0x61: {  	_ =	shalt  }
0x62: {  	_ =	shalt  }
0x63: {  	_ =	shalt  }
0x64: {  	_ =	shalt  }
0x65: {  	_ =	shalt  }
0x66: {  	_ =	shalt  }
0x67: {  	_ =	shalt  }
0x68: {  	_ =	shalt  }
0x69: {  	_ =	shalt  }
0x6a: {  	_ =	shalt  }
0x6b: {  	_ =	shalt  }
0x6c: {  	_ =	shalt  }
0x6d: {  	_ =	shalt  }
0x6e: {  	_ =	shalt  }
0x6f: {  	_ =	shalt  }
0x70: {  	_ =	shalt  }
0x71: {  	_ =	shalt  }
0x72: {  	_ =	shalt  }
0x73: {  	_ =	shalt  }
0x74: {  	_ =	shalt  }
0x75: {  	_ =	shalt  }
0x76: {  	_ =	shalt  }
0x77: {  	_ =	shalt  }
0x78: {  	_ =	shalt  }
0x79: {  	_ =	shalt  }
0x7a: {  	_ =	shalt  }
0x7b: {  	_ =	shalt  }
0x7c: {  	_ =	shalt  }
0x7d: {  	_ =	shalt  }
0x7e: {  	_ =	shalt  }
0x7f: {  	_ =	shalt  }
0x80: {  	_ =	shalt  }
0x81: {  	_ =	shalt  }
0x82: {  	_ =	shalt  }
0x83: {  	_ =	shalt  }
0x84: {  	_ =	shalt  }
0x85: {  	_ =	shalt  }
0x86: {  	_ =	shalt  }
0x87: {  	_ =	shalt  }
.Lfunc_end0:
.L_simem_size_0:
called_computation.1_lowered:
.L_overlay_start_0:
0x88: {  	s2 =	sld [smem:$0x3FD9]  }
0x89: {  	s3 =	sld [smem:$0x3FFE];
	_ =	sdelay $0x1  }
0x8a: {  	s1 =	srdreg.scid  }
0x8b: {  	s0 =	sand.u32 $0x1, s1  }
0x8c: {  	s17 =	sshll.u32 s0, $0xA;
	s2 =	sadd.s32 s3, s2  }
0x8d: {  	s2 =	sadd.s32 s2, s17  }
0x8e: {  	[smem:$0x3FB8] =	sst s2  }
0x8f: {  	_ = 	snop  }
0x90: {  	s2 =	sld [smem:$0x3FC6]  }
0x91: {  	s18 =	sld [smem:$0x3FC5];
	(tm) =	ssettm $0x1  }
0x92: {  	s4 =	sld [smem:$0x3FFB];
	_ =	sdelay $0x3  }
0x93: {  	_ =	strace s4  }
0x94: {  	s4 =	sld [smem:$0x3FFC];
	_ =	sdelay $0x3  }
0x95: {  	_ =	strace s4  }
0x96: {  	s4 =	sld [smem:$0x3FFD];
	_ =	sdelay $0x3  }
0x97: {  	_ =	strace s4  }
0x98: {  	_ =	strace $0x8FFFFFFF  }
0x99: {  	s19 =	sld [smem:$0x3FDB];
	_ =	sdelay $0x1  }
0x9a: {  	s5 =	simm.s32 $_scs_section_size  }
0x9b: {  	s6 =	simm.s32 $_size__tile_overlayer_lowered;
	s7 =	simm.s32 $_tile_overlayer_lowered  }
0x9c: {  	s22 =	simm.s32 $0x1BFF;
	s21 =	sshll.u32 s7, $0x1;
	s4 =	sadd.s32 s5, s19  }
0x9d: {  	s8 =	simm.s32 $0x0;
	s20 =	sshll.u32 s6, $0x1;
	s6 =	sadd.s32 s21, s4  }
0x9e: {  	[timem:s8], [sflag:s22] =	dma.local [hbm:s6], s20  }
0x9f: {  	_ =	swait.ge [sflag:s22], s20  }
0xa0: {  	s5 =	ssub.s32 $0x0, s20;
	[sflag:s22] =	ssyncset.done $0x0  }
0xa1: {  	[sflag:s22] =	ssyncadd.s32 s5;
	_ =	sdelay $0x1  }
0xa2: {  	s23 =	simm.s32 $0x1B8B  }
0xa3: {  	_ =	swait.ge [sflag:s23], $0x1  }
0xa4: {  	[sflag:s23] =	ssyncset.done $0x0  }
0xa5: {  	s25 =	simm.s32 $0x1B8E;
	s24 =	sld [smem:$0x3FFE];
	[sflag:s23] =	ssyncadd.s32 $0xFFFFFFFF  }
0xa6: {  	s26 =	simm.s32 $execute0_lowered;
	[smem:$0x3FD2] =	sst s25  }
0xa7: {  	s6 =	sshll.u32 s26, $0x1;
	_ =	strace $0x80000049;
	[dreg:$0x1] =	wrdreg $0xFFFFFFFF  }
0xa8: {  	s28 =	simm.s32 $_size_execute0_lowered;
	s4 =	sadd.s32 s4, s6;
	[dreg:$0x0] =	wrdreg $0x0  }
0xa9: {  	s6 =	sshll.u32 s28, $0x1;
	[dreg:$0x2] =	wrdreg s4  }
0xaa: {  	[dreg:$0x3] =	wrdreg s6  }
0xab: {  	[dreg:$0x4] =	wrdreg $0xC0  }
0xac: {  	_ =	task [dreg:s8], $0x5FFFF  }
0xad: {  	[dreg:$0x1] =	wrdreg $0xFFFFFFFF  }
0xae: {  	[dreg:$0x0] =	wrdreg $0x60  }
0xaf: {  	[dreg:$0x2] =	wrdreg s2  }
0xb0: {  	[dreg:$0x3] =	wrdreg s18  }
0xb1: {  	[dreg:$0x4] =	wrdreg s24  }
0xb2: {  	[dreg:$0x5] =	wrdreg $0x9  }
0xb3: {  	_ =	task.clear_ibuf [dreg:s8], $0x6FFFF;
	_ =	strace $0x90000049  }
0xb4: {  	s29 =	simm.s32 $0x9;
	_ =	strace $0x8000004B  }
0xb5: {  	_ =	swait.ge [sflag:s29], $0x1  }
0xb6: {  	[sflag:s29] =	ssyncadd.s32 $0xFFFFFFFF  }
0xb7: {  	_ =	strace $0x9000004B  }
0xb8: {  	_ =	sfence  }
0xb9: {  	s30 =	sld [smem:$0x0];
	_ =	sdelay $0x2  }
0xba: {  	s31 =	sshll.u32 s1, $0xD;
	s1 =	sshrl.u32 s1, $0x2  }
0xbb: {  	s3 =	sand.u32 $0x4000, s31;
	s1 =	sadd.s32 s1, s30  }
0xbc: {  	s0 =	sor.u32 s3, s0;
	s1 =	sshll.u32 s1, $0x11  }
0xbd: {  	s0 =	sor.u32 s1, s0  }
0xbe: {  	s0 =	sadd.s32 $0x8F2B, s0  }
0xbf: {  	[sflag:s0] =	ssyncadd.remote.s32 $0x1  }
0xc0: {  	_ =	sfence.sel $0xFFFF  }
0xc1: {  	[dreg:$0x0] =	wrdreg $0xFFFFFFFF;
	(pc) =	sbr.abs _section_cstart, $3  }
0xc2: {  	[dreg:$0x1] =	wrdreg $0xFFFFFFFF  }
0xc3: {  	_ =	task.clear_ibuf [dreg:s8], $0x2FFFF;
	_ =	strace $0x9FFFFFFF  }
0xc4: {  	(tm) =	ssettm $0x7FFFFFFF  }
0xc5: {  	_ =	shalt  }
tec
execute0_lowered:
.L_overlay_start_1:
0x0: {  	(tag) =	ssettag $0x1  }
0x1: {  	s4 =	rddreg [dreg:$0x0]  }
0x2: {  	s1 =	srdreg.scid;
	s7 =	rddreg [dreg:$0x1]  }
0x3: {  	s0 =	stileid.u32;
	s5 =	rddreg [dreg:$0x2]  }
0x4: {  	s2 =	simm.s32 $0x0;
	s3 =	sand.u32 $0x1, s1;
	s1 =	rddreg [dreg:$0x3]  }
0x5: {  	s26 =	sshll.u32 s0, $0x1;
	[smem:$0x7FF] =	sst s2  }
0x6: {  	s10 =	sadd.s32 $0x13380, s7;
	s6 =	sor.u32 s3, s26;
	_ =	strace $0x8000004A  }
0x7: {  	s9 =	ssub.s32 $0x2, s3;
	s3 =	sadd.s32 $0x3200, s5;
	s8 =	smul.u32 $0x28, s6  }
0x8: {  	s28 =	sshrl.u32 s9, $0x1;
	p0 =	sgt.u32 s6, $0xE;
	s29 =	smul.u32 $0xFFFF6000, s6  }
0x9: {  	s11 =	sadd.s32 $0xFFFFFFF0, s6;
	s12 =	smul.u32 $0xA000, s6;
	p1 =	sne.s32 @p0 s6, $0xF  }
0xa: {  	s15 =	smul.u32 $0x1400, s6;
	s8 =	sadd.s32 s8, s5;
	p3 =	por !p1, !p0  }
0xb: {  	s5 =	ssub.s32 s9, s28;
	s30 =	sadd.s32 $0xFFF63C00, s12;
	p2 =	sgt.u32 @!p3 s11, $0xE  }
0xc: {  	s13 =	ssub.s32 $0xFFEC7800, s29;
	s14 =	sadd.s32 $0x2600, s8;
	p4 =	por @p0 !p2, !p1  }
0xd: {  	[tilespmem:s2], [sflag:$0x2] =	stream.linear.gather [hbm4b:s14+s2], $0x140, $0x38;
	[tilespmem:$0xA180] =	vst v63  }
0xe: {  	s9 =	sadd.s32 $0x12C00, s4;
	s31 =	smax.u32 s5, $0x1;
	p4 =	por p4, !p0  }
0xf: {  	s11 =	sadd.s32 $0x138800, s29;
	s17 =	sadd.s32 $0xFFFFFFFF, s31;
	p4 =	sne.s32 @!p4 s6, $0x1F  }
0x10: {  	s8 =	sshrl.u32 s30, $0x3;
	p3 =	por @!p3 p4, !p2;
	p4 =	sne.s32 s17, $0x0  }
.Ltmp0:
0x11: {  	s5 =	simm.s32 $0x180;
	s12 =	sadd.s32 s7, s8;
	(pc) =	sbr.rel @!p4 .LBB2_2-.Ltmp0, $4  }
0x12: {  	s8 =	sadd.s32 s4, s15;
	s15 =	simm.s32 $0x2;
	s4 =	simm.s32 $0x140  }
0x13: {  	_ =	swait.ge [sflag:s15], $0x140;
	s6 =	sor.u32 $0x2800, s6;
	p3 =	por @p0 p3, !p1  }
0x14: {  	p2 =	por @p0 p2, !p1;
	v0 =	vmov s6;
	s6 =	simm.s32 $0x1;
	p3 =	por p3, !p0  }
0x15: {  	p2 =	por p2, !p0;
	p1 =	por p1, !p0;
	s16 =	simm.s32 @!p3 $0x2  }
.LBB2_1:
0x16: {  	s17 =	sadd.s32 $0xFFFFFFFF, s17;
	[sflag:s15] =	ssyncset.done $0x0;
	s18 =	simm.s32 @!p3 $0x180  }
0x17: {  	s19 =	simm.s32 @!p3 $0x0;
	p4 =	sne.s32 s17, $0x0;
	[sflag:s15] =	ssyncadd.s32 $0xFFFFFEC0  }
0x18: {  	[tilespmem:s18], [sflag:$0x2] =	stream.linear.gather @!p3 [hbm4b:s10+s19], s11, $0x38;
	[tilespmem:$0xA180] =	vst v63  }
0x19: {  	_ =	swait.ge @!p3 [sflag:s16], s11  }
0x1a: {  	s18 =	simm.s32 @!p2 $0x2;
	[sflag:s16] =	ssyncset.done @!p3 $0x0  }
0x1b: {  	s20 =	simm.s32 @!p2 $0x180;
	s19 =	simm.s32 @!p2 $0x0;
	[sflag:s16] =	ssyncadd.s32 @!p3 s13  }
0x1c: {  	[tilespmem:s20], [sflag:$0x2] =	stream.linear.gather @!p2 [hbm4b:s12+s19], $0xA000, $0x38;
	[tilespmem:$0xA180] =	vst v63  }
0x1d: {  	_ =	swait.ge @!p2 [sflag:s18], $0xA000  }
0x1e: {  	s19 =	simm.s32 @!p1 $0x2;
	[sflag:s18] =	ssyncset.done @!p2 $0x0  }
0x1f: {  	s20 =	simm.s32 @!p1 $0x180;
	[sflag:s18] =	ssyncadd.s32 @!p2 $0xFFFF6000;
	s18 =	simm.s32 @!p1 $0x0  }
0x20: {  	[tilespmem:s20], [sflag:$0x2] =	stream.linear.gather @!p1 [hbm4b:s9+s18], $0x6400, $0x38;
	[tilespmem:$0xA180] =	vst v63  }
0x21: {  	_ =	swait.ge @!p1 [sflag:s19], $0x6400  }
0x22: {  	[sflag:s19] =	ssyncset.done @!p1 $0x0  }
0x23: {  	s20 =	simm.s32 @!p1 $0x6580;
	[sflag:s19] =	ssyncadd.s32 @!p1 $0xFFFF9C00  }
0x24: {  	[tilespmem:s20], [sflag:$0x2] =	stream.linear.gather @!p1 [hbm4b:s7+s18], $0x3C00, $0x38;
	[tilespmem:$0xA180] =	vst v63  }
0x25: {  	_ =	swait.ge @!p1 [sflag:s19], $0x3C00  }
0x26: {  	s18 =	simm.s32 @!p0 $0x2;
	[sflag:s19] =	ssyncset.done @!p1 $0x0  }
0x27: {  	s20 =	simm.s32 @!p0 $0x180;
	[sflag:s19] =	ssyncadd.s32 @!p1 $0xFFFFC400;
	s19 =	simm.s32 @!p0 $0x0  }
0x28: {  	[tilespmem:s20], [sflag:$0x2] =	stream.linear.gather @!p0 [hbm4b:s8+s19], $0xA000, $0x38;
	[tilespmem:$0xA180] =	vst v63  }
0x29: {  	_ =	swait.ge @!p0 [sflag:s18], $0xA000  }
0x2a: {  	[sflag:s18] =	ssyncset.done @!p0 $0x0  }
0x2b: {  	[sflag:s18] =	ssyncadd.s32 @!p0 $0xFFFF6000  }
0x2c: {  	v1 =	vld [tilespmem:$0x30]  }
0x2d: {  	v2 =	vld [tilespmem:$0xD0]  }
0x2e: {  	v3 =	vld [tilespmem:$0xE0]  }
0x2f: {  	v4 =	vld [tilespmem:$0xF0]  }
0x30: {  	v5 =	vld [tilespmem:$0x50]  }
0x31: {  	v6 =	vld [tilespmem:$0x100]  }
0x32: {  	vm0 =	veq.s32 v1, $0x2800;
	v7 =	vld [tilespmem:$0x10];
	vm1 =	veq.s32 v2, $0x2800  }
0x33: {  	v1 =	vsel vm0, v0, v1;
	v8 =	vld [tilespmem:$0x20];
	v2 =	vsel vm1, v0, v2;
	vm0 =	veq.s32 v3, $0x2800  }
0x34: {  	[tilespmem:$0x30] =	vst v1;
	v1 =	vsel vm0, v0, v3;
	vm0 =	veq.s32 v4, $0x2800;
	v3 =	vld [tilespmem:$0x110]  }
0x35: {  	vm1 =	veq.s32 v5, $0x2800;
	v9 =	vld [tilespmem:$0x60];
	[tilespmem:$0xD0] =	vst v2;
	v2 =	vsel vm0, v0, v4  }
0x36: {  	v4 =	vld [tilespmem:$0x40];
	v5 =	vsel vm1, v0, v5;
	[tilespmem:$0xF0] =	vst v2;
	vm0 =	veq.s32 v6, $0x2800  }
0x37: {  	vm1 =	veq.s32 v7, $0x2800;
	[tilespmem:$0x50] =	vst v5;
	v2 =	vsel vm0, v0, v6;
	v5 =	vld [tilespmem:$0x120]  }
0x38: {  	v6 =	vsel vm1, v0, v7;
	vm0 =	veq.s32 v8, $0x2800;
	v7 =	vld [tilespmem:$0x70];
	[tilespmem:$0xE0] =	vst v1  }
0x39: {  	[tilespmem:$0x10] =	vst v6;
	v1 =	vsel vm0, v0, v8;
	vm0 =	veq.s32 v3, $0x2800;
	v6 =	vld [tilespmem:$0x130]  }
0x3a: {  	v8 =	vld [tilespmem:$0x0];
	[tilespmem:$0x20] =	vst v1;
	vm1 =	veq.s32 v9, $0x2800;
	v1 =	vsel vm0, v0, v3  }
0x3b: {  	vm0 =	veq.s32 v4, $0x2800;
	v3 =	vsel vm1, v0, v9;
	v9 =	vld [tilespmem:$0x80];
	[tilespmem:$0x110] =	vst v1  }
0x3c: {  	v1 =	vsel vm0, v0, v4;
	[tilespmem:$0x60] =	vst v3;
	v3 =	vld [tilespmem:$0x90];
	vm0 =	veq.s32 v5, $0x2800  }
0x3d: {  	[tilespmem:$0x40] =	vst v1;
	vm1 =	veq.s32 v7, $0x2800;
	v1 =	vld [tilespmem:$0xA0];
	v4 =	vsel vm0, v0, v5  }
0x3e: {  	v5 =	vsel vm1, v0, v7;
	v7 =	vld [tilespmem:$0xB0];
	[tilespmem:$0x120] =	vst v4;
	vm0 =	veq.s32 v6, $0x2800  }
0x3f: {  	vm1 =	veq.s32 v8, $0x2800;
	[tilespmem:$0x70] =	vst v5;
	v4 =	vld [tilespmem:$0xC0];
	v5 =	vsel vm0, v0, v6  }
0x40: {  	v6 =	vsel vm1, v0, v8;
	vm0 =	veq.s32 v9, $0x2800;
	[tilespmem:$0x130] =	vst v5  }
0x41: {  	[tilespmem:$0x0] =	vst v6;
	v5 =	vsel vm0, v0, v9;
	vm0 =	veq.s32 v3, $0x2800  }
0x42: {  	[tilespmem:$0x80] =	vst v5;
	v3 =	vsel vm0, v0, v3;
	vm0 =	veq.s32 v1, $0x2800  }
0x43: {  	[tilespmem:$0x90] =	vst v3;
	v1 =	vsel vm0, v0, v1;
	vm0 =	veq.s32 v7, $0x2800  }
0x44: {  	[tilespmem:$0xA0] =	vst v1;
	v1 =	vsel vm0, v0, v7;
	vm0 =	veq.s32 v4, $0x2800  }
0x45: {  	[tilespmem:$0xB0] =	vst v1;
	v1 =	vsel vm0, v0, v4  }
0x46: {  	[tilespmem:$0xC0] =	vst v1  }
0x47: {  	[tilespmem:$0x100] =	vst v2  }
0x48: {  	[hbm4b:s3+s4] =	stream.indirect.scatter [tilespmem:s5], [sflag:$0x1], $0x80, s2, s4, $0xb8;
	[tilespmem:$0xA180] =	vst v63  }
.Ltmp1:
0x49: {  	_ =	swait.ge [sflag:s6], $0xA000;
	(pc) =	sbr.rel @p4 .LBB2_1-.Ltmp1, $4  }
0x4a: {  	[sflag:s6] =	ssyncset.done $0x0  }
0x4b: {  	[sflag:s6] =	ssyncadd.s32 $0xFFFF6000  }
0x4c: {  	[tilespmem:s2], [sflag:$0x2] =	stream.linear.gather [hbm4b:s14+s2], $0x140, $0x38;
	[tilespmem:$0xA180] =	vst v63  }
0x4d: {  	_ =	swait.ge [sflag:s15], $0x140  }
.LBB2_2:
0x4e: {  	[sflag:s15] =	ssyncset.done $0x0  }
0x4f: {  	s14 =	simm.s32 @!p3 $0x180;
	[sflag:s15] =	ssyncadd.s32 $0xFFFFFEC0;
	s15 =	simm.s32 @!p3 $0x0  }
0x50: {  	[tilespmem:s14], [sflag:$0x2] =	stream.linear.gather @!p3 [hbm4b:s10+s15], s11, $0x38;
	[tilespmem:$0xA180] =	vst v63  }
0x51: {  	_ =	swait.ge @!p3 [sflag:s16], s11  }
0x52: {  	s10 =	simm.s32 @!p2 $0x2;
	[sflag:s16] =	ssyncset.done @!p3 $0x0  }
0x53: {  	s11 =	simm.s32 @!p2 $0x0;
	[sflag:s16] =	ssyncadd.s32 @!p3 s13;
	s13 =	simm.s32 @!p2 $0x180  }
0x54: {  	[tilespmem:s13], [sflag:$0x2] =	stream.linear.gather @!p2 [hbm4b:s12+s11], $0xA000, $0x38;
	[tilespmem:$0xA180] =	vst v63  }
0x55: {  	_ =	swait.ge @!p2 [sflag:s10], $0xA000  }
0x56: {  	s11 =	simm.s32 @!p1 $0x2;
	[sflag:s10] =	ssyncset.done @!p2 $0x0  }
0x57: {  	s12 =	simm.s32 @!p1 $0x180;
	[sflag:s10] =	ssyncadd.s32 @!p2 $0xFFFF6000;
	s10 =	simm.s32 @!p1 $0x0  }
0x58: {  	[tilespmem:s12], [sflag:$0x2] =	stream.linear.gather @!p1 [hbm4b:s9+s10], $0x6400, $0x38;
	[tilespmem:$0xA180] =	vst v63  }
0x59: {  	_ =	swait.ge @!p1 [sflag:s11], $0x6400  }
0x5a: {  	[sflag:s11] =	ssyncset.done @!p1 $0x0  }
0x5b: {  	s9 =	simm.s32 @!p1 $0x6580;
	[sflag:s11] =	ssyncadd.s32 @!p1 $0xFFFF9C00  }
0x5c: {  	[tilespmem:s9], [sflag:$0x2] =	stream.linear.gather @!p1 [hbm4b:s7+s10], $0x3C00, $0x38;
	[tilespmem:$0xA180] =	vst v63  }
0x5d: {  	_ =	swait.ge @!p1 [sflag:s11], $0x3C00  }
0x5e: {  	s7 =	simm.s32 @!p0 $0x2;
	[sflag:s11] =	ssyncset.done @!p1 $0x0  }
0x5f: {  	s9 =	simm.s32 @!p0 $0x0;
	s10 =	simm.s32 @!p0 $0x180;
	[sflag:s11] =	ssyncadd.s32 @!p1 $0xFFFFC400  }
0x60: {  	[tilespmem:s10], [sflag:$0x2] =	stream.linear.gather @!p0 [hbm4b:s8+s9], $0xA000, $0x38;
	[tilespmem:$0xA180] =	vst v63  }
0x61: {  	_ =	swait.ge @!p0 [sflag:s7], $0xA000  }
0x62: {  	[sflag:s7] =	ssyncset.done @!p0 $0x0  }
0x63: {  	[sflag:s7] =	ssyncadd.s32 @!p0 $0xFFFF6000  }
0x64: {  	v1 =	vld [tilespmem:$0x30]  }
0x65: {  	v2 =	vld [tilespmem:$0xD0]  }
0x66: {  	v3 =	vld [tilespmem:$0xF0]  }
0x67: {  	v4 =	vld [tilespmem:$0x50]  }
0x68: {  	v5 =	vld [tilespmem:$0xE0]  }
0x69: {  	v6 =	vld [tilespmem:$0x10];
	vm0 =	veq.s32 v1, $0x2800  }
0x6a: {  	v7 =	vld [tilespmem:$0x20];
	vm1 =	veq.s32 v2, $0x2800;
	v1 =	vsel vm0, v0, v1  }
0x6b: {  	v8 =	vld [tilespmem:$0x60];
	vm10 =	veq.s32 v3, $0x2800;
	v2 =	vsel vm1, v0, v2;
	[tilespmem:$0x30] =	vst v1  }
0x6c: {  	v41 =	vld [tilespmem:$0x40];
	vm11 =	veq.s32 v4, $0x2800;
	v40 =	vsel vm10, v0, v3;
	[tilespmem:$0xD0] =	vst v2  }
0x6d: {  	v43 =	vld [tilespmem:$0x120];
	vm12 =	veq.s32 v5, $0x2800;
	v4 =	vsel vm11, v0, v4;
	[tilespmem:$0xF0] =	vst v40  }
0x6e: {  	v45 =	vld [tilespmem:$0x70];
	vm13 =	veq.s32 v6, $0x2800;
	v42 =	vsel vm12, v0, v5;
	[tilespmem:$0x50] =	vst v4  }
0x6f: {  	v47 =	vld [tilespmem:$0x130];
	vm14 =	veq.s32 v7, $0x2800;
	v44 =	vsel vm13, v0, v6;
	[tilespmem:$0xE0] =	vst v42  }
0x70: {  	v48 =	vld [tilespmem:$0x0];
	vm4 =	veq.s32 v8, $0x2800;
	v46 =	vsel vm14, v0, v7;
	[tilespmem:$0x10] =	vst v44  }
0x71: {  	v39 =	vld [tilespmem:$0x110];
	vm5 =	veq.s32 v41, $0x2800;
	v49 =	vsel vm4, v0, v8;
	[tilespmem:$0x20] =	vst v46  }
0x72: {  	v50 =	vld [tilespmem:$0x80];
	vm6 =	veq.s32 v43, $0x2800;
	v51 =	vsel vm5, v0, v41;
	[tilespmem:$0x60] =	vst v49  }
0x73: {  	v52 =	vld [tilespmem:$0x90];
	vm7 =	veq.s32 v45, $0x2800;
	v54 =	vsel vm6, v0, v43;
	[tilespmem:$0x40] =	vst v51  }
0x74: {  	v56 =	vld [tilespmem:$0xB0];
	vm8 =	veq.s32 v47, $0x2800;
	v55 =	vsel vm7, v0, v45;
	[tilespmem:$0x120] =	vst v54  }
0x75: {  	v57 =	vld [tilespmem:$0xC0];
	vm9 =	veq.s32 v48, $0x2800;
	v58 =	vsel vm8, v0, v47;
	[tilespmem:$0x70] =	vst v55  }
0x76: {  	v53 =	vld [tilespmem:$0xA0];
	vm15 =	veq.s32 v39, $0x2800;
	v7 =	vsel vm9, v0, v48;
	[tilespmem:$0x130] =	vst v58  }
0x77: {  	v59 =	vld [tilespmem:$0x100];
	vm10 =	veq.s32 v50, $0x2800;
	v1 =	vsel vm15, v0, v39;
	[tilespmem:$0x0] =	vst v7  }
0x78: {  	vm11 =	veq.s32 v52, $0x2800;
	v60 =	vsel vm10, v0, v50;
	[tilespmem:$0x110] =	vst v1  }
0x79: {  	vm13 =	veq.s32 v56, $0x2800;
	v2 =	vsel vm11, v0, v52;
	[tilespmem:$0x80] =	vst v60  }
0x7a: {  	vm14 =	veq.s32 v57, $0x2800;
	v61 =	vsel vm13, v0, v56;
	[tilespmem:$0x90] =	vst v2  }
0x7b: {  	vm12 =	veq.s32 v53, $0x2800;
	v62 =	vsel vm14, v0, v57;
	[tilespmem:$0xB0] =	vst v61  }
0x7c: {  	vm15 =	veq.s32 v59, $0x2800;
	v1 =	vsel vm12, v0, v53;
	[tilespmem:$0xC0] =	vst v62  }
0x7d: {  	v63 =	vsel vm15, v0, v59;
	[tilespmem:$0xA0] =	vst v1  }
0x7e: {  	[tilespmem:$0x100] =	vst v63  }
0x7f: {  	[hbm4b:s3+s4] =	stream.indirect.scatter [tilespmem:s5], [sflag:$0x1], $0x80, s2, s4, $0xb8;
	[tilespmem:$0xA180] =	vst v63  }
0x80: {  	_ =	swait.ge [sflag:s6], $0xA000  }
0x81: {  	[sflag:s6] =	ssyncset.done $0x0  }
0x82: {  	[sflag:s6] =	ssyncadd.s32 $0xFFFF6000  }
0x83: {  	_ =	sfence.sel $0x180000  }
0x84: {  	[bflag:$0x0] =	sbarrier.arrive $0xFFFF  }
0x85: {  	p0 =	sne.s32 s0, $0x0;
	_ =	strace $0x9000004A  }
0x86: {  	s0 =	sadd.s32 @!p0 $0x100000, s1;
	[bflag:$0x2] =	sbarrier.arrive $0xFFFF  }
0x87: {  	[sflag:s0] =	ssyncadd.tile.s32 @!p0 $0x1;
	_ =	shalt  }
.Lfunc_end2:
_tile_overlayer_lowered:
.L_overlay_start_2:
0x88: {  	(tag) =	ssettag $0x2  }
0x89: {  	s0 =	rddreg [dreg:$0x0];
	s2 =	stileid.u32  }
0x8a: {  	s1 =	rddreg [dreg:$0x1];
	p0 =	sne.s32 s2, $0x0  }
0x8b: {  	s3 =	rddreg [dreg:$0x2];
	[bflag:$0x3] =	sbarrier.arrive $0xFFFF;
	s2 =	simm.s32 @!p0 $0x1C02  }
0x8c: {  	[timem:s3], [sflag:s2] =	dma.local @!p0 [hbm:s0], s1  }
0x8d: {  	s0 =	simm.s32 @!p0 $0x2  }
0x8e: {  	_ =	swait.ge @!p0 [sflag:s0], s1  }
0x8f: {  	s1 =	ssub.s32 @!p0 $0x0, s1;
	[sflag:s0] =	ssyncset.done @!p0 $0x0  }
0x90: {  	[sflag:s0] =	ssyncadd.s32 @!p0 s1  }
0x91: {  	[bflag:$0x3] =	sbarrier.arrive $0xFFFF  }
0x92: {  	_ =	shalt  }

// kernel: kernel.13.cloned.1.call-start
scs
__scs_entry_jumppad:
0x0: {  	(pc) =	sbr.rel $0x88, $3  }
0x1: {  	(tag) =	ssettag $0x0;
	lr =	simm.s32 $0x1  }
0x2: {  	[smem:$0x3F91] =	sst lr;
	_ =	strace $0xD0000000  }
0x3: {  	_ = 	snop  }
0x4: {  	_ = 	snop  }
0x5: {  	_ = 	snop  }
0x6: {  	_ = 	snop  }
0x7: {  	_ = 	snop  }
__scs_overlays_trampoline_lowered:
0x8: {  	[smem:$0x3FA0] =	sst s0  }
0x9: {  	[smem:$0x3FA1] =	sst s1  }
0xa: {  	[smem:$0x3FA2] =	sst s2  }
0xb: {  	[smem:$0x3FA3] =	sst s3  }
0xc: {  	[smem:$0x3FA4] =	sst s4  }
0xd: {  	[smem:$0x3FA5] =	sst s5  }
0xe: {  	[smem:$0x3FA6] =	sst s6  }
0xf: {  	[smem:$0x3FA7] =	sst s7  }
0x10: {  	[smem:$0x3FA8] =	sst s8  }
0x11: {  	[smem:$0x3FA9] =	sst s9;
	s0 =	simm.s32 @!p0 $0x0  }
0x12: {  	s1 =	sld [smem:$0x3F8F];
	s0 =	simm.s32 @p0 $0x1  }
0x13: {  	[smem:$0x3FAA] =	sst s0;
	s0 =	simm.s32 @!p1 $0x0  }
0x14: {  	s2 =	sld [smem:$0x3F8E];
	s0 =	simm.s32 @p1 $0x1  }
0x15: {  	[smem:$0x3FAB] =	sst s0;
	s0 =	simm.s32 @!p2 $0x0  }
0x16: {  	s3 =	sld [smem:$0x3FDB];
	s0 =	simm.s32 @p2 $0x1  }
0x17: {  	s4 =	simm.s32 $0x1BF5;
	[smem:$0x3FAD] =	sst s0  }
0x18: {  	s0 =	sld [smem:$0x3F90];
	_ =	swait.ge [sflag:s4], $0x0  }
0x19: {  	s7 =	sld [smem:$0x3F91]  }
0x1a: {  	s8 =	sadd.s32 $0xFFFFE003, lr  }
0x1b: {  	s9 =	sadd.s32 $0xFFFFFEF7, lr;
	s5 =	simm.s32 $0xFFFFFFFF;
	p2 =	slt.u32 s8, $0xFFFFF086  }
0x1c: {  	p1 =	slt.u32 s9, $0xF7A;
	s5 =	simm.s32 @!p2 $0x0  }
0x1d: {  	s5 =	simm.s32 @p1 $0x1;
	p0 =	seq.s32 s7, s2  }
0x1e: {  	s7 =	smul.u32 @!p0 $0xF7A, s2;
	p2 =	seq.s32 @!p0 s5, $0x0  }
0x1f: {  	s9 =	smul.u32 $0xF7A, s1;
	s8 =	simm.s32 @!p0 $0x1BF5;
	p2 =	por !p2, p0  }
0x20: {  	[sflag:s8] =	ssyncset.s32 @!p0 $0xFFFFF086;
	s6 =	sadd.s32 @!p0 s3, s7;
	s7 =	simm.s32 @!p0 $0x108  }
0x21: {  	s3 =	sadd.s32 s3, s9;
	s6 =	sadd.s32 @!p0 $0x88, s6;
	s7 =	simm.s32 @p2 $0x1082  }
0x22: {  	[simem:s7], [sflag:s8] =	dma.local @!p0 [hbm:s6], $0xF7A  }
0x23: {  	s9 =	sor.u32 $0xD0000000, s2;
	s6 =	simm.s32 $0x108;
	_ =	swait.ge @!p0 [sflag:s8], $0x0  }
0x24: {  	s3 =	sadd.s32 $0x88, s3;
	s6 =	simm.s32 @!p1 $0x1082;
	[sflag:s4] =	ssyncset.s32 $0xFFFFF086  }
0x25: {  	[simem:s6], [sflag:s4] =	dma.local [hbm:s3], $0xF7A  }
0x26: {  	[smem:$0x3F91] =	sst s1;
	(tag) =	ssettag s2;
	_ =	strace s9  }
0x27: {  	s1 =	sld [smem:$0x3FA1]  }
0x28: {  	s2 =	sld [smem:$0x3FA2]  }
0x29: {  	s4 =	sld [smem:$0x3FA4]  }
0x2a: {  	p0 =	seq.s32 s5, $0x0;
	s5 =	sld [smem:$0x3FA5]  }
0x2b: {  	s6 =	sld [smem:$0x3FA6]  }
0x2c: {  	s7 =	sld [smem:$0x3FA7]  }
0x2d: {  	s3 =	simm.s32 $0x108;
	s8 =	sld [smem:$0x3FA8]  }
0x2e: {  	s3 =	simm.s32 @!p0 $0x1082;
	s9 =	sld [smem:$0x3FA9]  }
0x2f: {  	lr =	sadd.s32 s0, s3;
	s0 =	sld [smem:$0x3FA0]  }
0x30: {  	s3 =	sld [smem:$0x3FA3]  }
0x31: {  	[smem:$0x3FAC] =	sst s10  }
0x32: {  	s10 =	sld [smem:$0x3FAA];
	_ =	sdelay $0x3  }
0x33: {  	p0 =	seq.s32 s10, $0x1;
	s10 =	sld [smem:$0x3FAC];
	_ =	sdelay $0x3  }
0x34: {  	[smem:$0x3FAC] =	sst s10  }
0x35: {  	s10 =	sld [smem:$0x3FAB];
	_ =	sdelay $0x3  }
0x36: {  	p1 =	seq.s32 s10, $0x1;
	s10 =	sld [smem:$0x3FAC];
	_ =	sdelay $0x3  }
0x37: {  	[smem:$0x3FAC] =	sst s10  }
0x38: {  	s10 =	sld [smem:$0x3FAD]  }
0x39: {  	_ = 	snop;
	(pc) =	sbr.ind lr, $3  }
0x3a: {  	_ = 	snop  }
0x3b: {  	_ = 	snop  }
0x3c: {  	p2 =	seq.s32 s10, $0x1;
	s10 =	sld [smem:$0x3FAC]  }
0x3d: {  	_ =	shalt  }
0x3e: {  	_ =	shalt  }
0x3f: {  	_ =	shalt  }
0x40: {  	_ =	shalt  }
0x41: {  	_ =	shalt  }
0x42: {  	_ =	shalt  }
0x43: {  	_ =	shalt  }
0x44: {  	_ =	shalt  }
0x45: {  	_ =	shalt  }
0x46: {  	_ =	shalt  }
0x47: {  	_ =	shalt  }
0x48: {  	_ =	shalt  }
0x49: {  	_ =	shalt  }
0x4a: {  	_ =	shalt  }
0x4b: {  	_ =	shalt  }
0x4c: {  	_ =	shalt  }
0x4d: {  	_ =	shalt  }
0x4e: {  	_ =	shalt  }
0x4f: {  	_ =	shalt  }
0x50: {  	_ =	shalt  }
0x51: {  	_ =	shalt  }
0x52: {  	_ =	shalt  }
0x53: {  	_ =	shalt  }
0x54: {  	_ =	shalt  }
0x55: {  	_ =	shalt  }
0x56: {  	_ =	shalt  }
0x57: {  	_ =	shalt  }
0x58: {  	_ =	shalt  }
0x59: {  	_ =	shalt  }
0x5a: {  	_ =	shalt  }
0x5b: {  	_ =	shalt  }
0x5c: {  	_ =	shalt  }
0x5d: {  	_ =	shalt  }
0x5e: {  	_ =	shalt  }
0x5f: {  	_ =	shalt  }
0x60: {  	_ =	shalt  }
0x61: {  	_ =	shalt  }
0x62: {  	_ =	shalt  }
0x63: {  	_ =	shalt  }
0x64: {  	_ =	shalt  }
0x65: {  	_ =	shalt  }
0x66: {  	_ =	shalt  }
0x67: {  	_ =	shalt  }
0x68: {  	_ =	shalt  }
0x69: {  	_ =	shalt  }
0x6a: {  	_ =	shalt  }
0x6b: {  	_ =	shalt  }
0x6c: {  	_ =	shalt  }
0x6d: {  	_ =	shalt  }
0x6e: {  	_ =	shalt  }
0x6f: {  	_ =	shalt  }
0x70: {  	_ =	shalt  }
0x71: {  	_ =	shalt  }
0x72: {  	_ =	shalt  }
0x73: {  	_ =	shalt  }
0x74: {  	_ =	shalt  }
0x75: {  	_ =	shalt  }
0x76: {  	_ =	shalt  }
0x77: {  	_ =	shalt  }
0x78: {  	_ =	shalt  }
0x79: {  	_ =	shalt  }
0x7a: {  	_ =	shalt  }
0x7b: {  	_ =	shalt  }
0x7c: {  	_ =	shalt  }
0x7d: {  	_ =	shalt  }
0x7e: {  	_ =	shalt  }
0x7f: {  	_ =	shalt  }
0x80: {  	_ =	shalt  }
0x81: {  	_ =	shalt  }
0x82: {  	_ =	shalt  }
0x83: {  	_ =	shalt  }
0x84: {  	_ =	shalt  }
0x85: {  	_ =	shalt  }
0x86: {  	_ =	shalt  }
0x87: {  	_ =	shalt  }
.Lfunc_end0:
.L_simem_size_0:
called_computation.2_lowered:
.L_overlay_start_0:
0x88: {  	s2 =	sld [smem:$0x3FD9]  }
0x89: {  	s3 =	sld [smem:$0x3FFE];
	_ =	sdelay $0x1  }
0x8a: {  	s1 =	srdreg.scid  }
0x8b: {  	s0 =	sand.u32 $0x1, s1  }
0x8c: {  	s14 =	sshll.u32 s0, $0xA;
	s2 =	sadd.s32 s3, s2  }
0x8d: {  	s2 =	sadd.s32 s2, s14  }
0x8e: {  	[smem:$0x3FB8] =	sst s2  }
0x8f: {  	_ = 	snop  }
0x90: {  	s2 =	sld [smem:$0x3FD0];
	_ =	sdelay $0x2  }
0x91: {  	s15 =	simm.s32 $0xA;
	s4 =	simm.s32 $0x10  }
0x92: {  	[smem:s4], [sflag:s15] =	dma.local [hbm:s2], $0x1  }
0x93: {  	_ =	swait.eq [sflag:s15], $0x1  }
0x94: {  	[sflag:s15] =	ssyncset.done $0x0  }
0x95: {  	[sflag:s15] =	ssyncadd.s32 $0xFFFFFFFF  }
0x96: {  	s16 =	sld [smem:$0x11];
	(tm) =	ssettm $0x1  }
0x97: {  	s17 =	sld [smem:$0x3FFB];
	_ =	sdelay $0x3  }
0x98: {  	_ =	strace s17  }
0x99: {  	s3 =	sld [smem:$0x3FFC];
	_ =	sdelay $0x3  }
0x9a: {  	_ =	strace s3  }
0x9b: {  	s3 =	sld [smem:$0x3FFD];
	_ =	sdelay $0x3  }
0x9c: {  	_ =	strace s3  }
0x9d: {  	_ =	strace $0x8FFFFFFF  }
0x9e: {  	s18 =	sld [smem:$0x3FDB];
	_ =	sdelay $0x1  }
0x9f: {  	s19 =	simm.s32 $_scs_section_size  }
0xa0: {  	s5 =	simm.s32 $_size__tile_overlayer_lowered;
	s6 =	simm.s32 $_tile_overlayer_lowered  }
0xa1: {  	s22 =	simm.s32 $0x1BFF;
	s21 =	sshll.u32 s6, $0x1;
	s3 =	sadd.s32 s19, s18  }
0xa2: {  	s7 =	simm.s32 $0x0;
	s20 =	sshll.u32 s5, $0x1;
	s5 =	sadd.s32 s21, s3  }
0xa3: {  	[timem:s7], [sflag:s22] =	dma.local [hbm:s5], s20  }
0xa4: {  	_ =	swait.ge [sflag:s22], s20  }
0xa5: {  	s4 =	ssub.s32 $0x0, s20;
	[sflag:s22] =	ssyncset.done $0x0  }
0xa6: {  	[sflag:s22] =	ssyncadd.s32 s4;
	_ =	sdelay $0x1  }
0xa7: {  	s23 =	simm.s32 $0x1B8B  }
0xa8: {  	_ =	swait.ge [sflag:s23], $0x1  }
0xa9: {  	[sflag:s23] =	ssyncset.done $0x0  }
0xaa: {  	s25 =	simm.s32 $0x1B8E;
	s24 =	sld [smem:$0x3FFE];
	[sflag:s23] =	ssyncadd.s32 $0xFFFFFFFF  }
0xab: {  	s26 =	simm.s32 $execute0_lowered;
	[smem:$0x3FD2] =	sst s25  }
0xac: {  	s5 =	sshll.u32 s26, $0x1;
	_ =	strace $0x8000004C;
	[dreg:$0x1] =	wrdreg $0xFFFFFFFF  }
0xad: {  	s28 =	simm.s32 $_size_execute0_lowered;
	s3 =	sadd.s32 s3, s5;
	[dreg:$0x0] =	wrdreg $0x0  }
0xae: {  	s5 =	sshll.u32 s28, $0x1;
	[dreg:$0x2] =	wrdreg s3  }
0xaf: {  	[dreg:$0x3] =	wrdreg s5  }
0xb0: {  	[dreg:$0x4] =	wrdreg $0xC0  }
0xb1: {  	_ =	task [dreg:s7], $0x5FFFF  }
0xb2: {  	[dreg:$0x1] =	wrdreg $0xFFFFFFFF  }
0xb3: {  	[dreg:$0x0] =	wrdreg $0x60  }
0xb4: {  	[dreg:$0x2] =	wrdreg s24  }
0xb5: {  	[dreg:$0x3] =	wrdreg s16  }
0xb6: {  	[dreg:$0x4] =	wrdreg $0x9  }
0xb7: {  	_ =	task.clear_ibuf [dreg:s7], $0x5FFFF;
	_ =	strace $0x9000004C  }
0xb8: {  	s29 =	simm.s32 $0x9;
	_ =	strace $0x8000004E  }
0xb9: {  	_ =	swait.ge [sflag:s29], $0x1  }
0xba: {  	[sflag:s29] =	ssyncadd.s32 $0xFFFFFFFF  }
0xbb: {  	_ =	strace $0x9000004E  }
0xbc: {  	_ =	sfence  }
0xbd: {  	s30 =	sld [smem:$0x0];
	_ =	sdelay $0x2  }
0xbe: {  	s31 =	sshll.u32 s1, $0xD;
	s1 =	sshrl.u32 s1, $0x2  }
0xbf: {  	s3 =	sand.u32 $0x4000, s31;
	s1 =	sadd.s32 s1, s30  }
0xc0: {  	s0 =	sor.u32 s3, s0;
	s1 =	sshll.u32 s1, $0x11  }
0xc1: {  	s0 =	sor.u32 s1, s0  }
0xc2: {  	s0 =	sadd.s32 $0x8F2B, s0  }
0xc3: {  	[sflag:s0] =	ssyncadd.remote.s32 $0x1  }
0xc4: {  	_ =	sfence.sel $0xFFFF  }
0xc5: {  	[dreg:$0x0] =	wrdreg $0xFFFFFFFF;
	(pc) =	sbr.abs _section_cstart, $3  }
0xc6: {  	[dreg:$0x1] =	wrdreg $0xFFFFFFFF  }
0xc7: {  	_ =	task.clear_ibuf [dreg:s7], $0x2FFFF;
	_ =	strace $0x9FFFFFFF  }
0xc8: {  	(tm) =	ssettm $0x7FFFFFFF  }
0xc9: {  	_ =	shalt  }
tec
execute0_lowered:
.L_overlay_start_1:
0x0: {  	(tag) =	ssettag $0x1  }
0x1: {  	s1 =	srdreg.scid;
	s0 =	stileid.u32  }
0x2: {  	s5 =	rddreg [dreg:$0x0];
	s3 =	sand.u32 $0x1, s1;
	s31 =	sshll.u32 s0, $0x1  }
0x3: {  	s13 =	rddreg [dreg:$0x1];
	s9 =	sor.u32 s3, s31  }
0x4: {  	s2 =	simm.s32 $0x0;
	s1 =	rddreg [dreg:$0x2];
	s4 =	smul.u32 $0x14, s9  }
0x5: {  	s8 =	simm.s32 $0x1;
	[smem:$0x7FF] =	sst s2;
	s6 =	ssub.s32 $0x2, s3  }
0x6: {  	_ =	strace $0x8000004D;
	s7 =	sshrl.u32 s6, $0x1;
	s4 =	sadd.s32 s4, s5  }
0x7: {  	s15 =	smul.u32 $0xA00, s9;
	s3 =	sadd.s32 $0x2E00, s4;
	s4 =	simm.s32 $0x2  }
0x8: {  	[tilespmem:s2], [sflag:$0x2] =	stream.linear.gather [hbm4b:s3+s2], $0xA0, $0x38;
	[tilespmem:$0x5100] =	vst v63  }
0x9: {  	p0 =	seq.s32 s9, $0x1F;
	s9 =	sadd.s32 $0x13600, s13;
	_ =	swait.ge [sflag:s4], $0xA0  }
0xa: {  	s14 =	ssub.s32 s6, s7;
	s6 =	simm.s32 $0xA0;
	[sflag:s4] =	ssyncset.done $0x0  }
0xb: {  	s7 =	simm.s32 $0x100;
	s5 =	sadd.s32 $0x3200, s5;
	[sflag:s4] =	ssyncadd.s32 $0xFFFFFF60  }
0xc: {  	[tilespmem:s7], [sflag:$0x1] =	stream.indirect.gather [hbm4b:s5+s6], $0x80, s2, s6, $0xb8;
	[tilespmem:$0x5100] =	vst v63  }
0xd: {  	s10 =	simm.s32 @p0 $0x2;
	s11 =	simm.s32 @p0 $0x0;
	_ =	swait.ge [sflag:s8], $0x5000  }
0xe: {  	s12 =	simm.s32 @p0 $0x100;
	s14 =	smax.u32 s14, $0x1;
	[sflag:s8] =	ssyncset.done $0x0  }
0xf: {  	s13 =	sadd.s32 s13, s15;
	s15 =	sadd.s32 $0xFFFFFFFF, s14;
	[sflag:s8] =	ssyncadd.s32 $0xFFFFB000  }
0x10: {  	[hbm4b:s9+s11] =	stream.linear.scatter @p0 [tilespmem:s12], [sflag:$0x2], $0x1400, $0x38;
	[tilespmem:$0x5100] =	vst v63  }
0x11: {  	p1 =	sne.s32 s15, $0x0;
	_ =	swait.ge @p0 [sflag:s10], $0x1400  }
.Ltmp0:
0x12: {  	s16 =	simm.s32 @!p0 $0x0;
	[sflag:s10] =	ssyncset.done @p0 $0x0;
	(pc) =	sbr.rel @!p1 .LBB2_2-.Ltmp0, $4  }
0x13: {  	s17 =	simm.s32 @!p0 $0x100;
	s14 =	simm.s32 @!p0 $0x2;
	[sflag:s10] =	ssyncadd.s32 @p0 $0xFFFFEC00  }
0x14: {  	[hbm4b:s13+s16] =	stream.linear.scatter @!p0 [tilespmem:s17], [sflag:$0x2], $0x5000, $0x38;
	[tilespmem:$0x5100] =	vst v63  }
0x15: {  	_ =	swait.ge @!p0 [sflag:s14], $0x5000  }
0x16: {  	[sflag:s14] =	ssyncset.done @!p0 $0x0  }
.LBB2_1:
0x17: {  	s15 =	sadd.s32 $0xFFFFFFFF, s15;
	[sflag:s14] =	ssyncadd.s32 @!p0 $0xFFFFB000  }
0x18: {  	[tilespmem:s2], [sflag:$0x2] =	stream.linear.gather [hbm4b:s3+s2], $0xA0, $0x38;
	[tilespmem:$0x5100] =	vst v63  }
0x19: {  	p1 =	sne.s32 s15, $0x0;
	_ =	swait.ge [sflag:s4], $0xA0  }
0x1a: {  	[sflag:s4] =	ssyncset.done $0x0  }
0x1b: {  	[sflag:s4] =	ssyncadd.s32 $0xFFFFFF60  }
0x1c: {  	[tilespmem:s7], [sflag:$0x1] =	stream.indirect.gather [hbm4b:s5+s6], $0x80, s2, s6, $0xb8;
	[tilespmem:$0x5100] =	vst v63  }
0x1d: {  	_ =	swait.ge [sflag:s8], $0x5000  }
0x1e: {  	[sflag:s8] =	ssyncset.done $0x0  }
0x1f: {  	[sflag:s8] =	ssyncadd.s32 $0xFFFFB000  }
0x20: {  	[hbm4b:s9+s11] =	stream.linear.scatter @p0 [tilespmem:s12], [sflag:$0x2], $0x1400, $0x38;
	[tilespmem:$0x5100] =	vst v63  }
0x21: {  	_ =	swait.ge @p0 [sflag:s10], $0x1400  }
.Ltmp1:
0x22: {  	[sflag:s10] =	ssyncset.done @p0 $0x0;
	(pc) =	sbr.rel @p1 .LBB2_1-.Ltmp1, $4  }
0x23: {  	[sflag:s10] =	ssyncadd.s32 @p0 $0xFFFFEC00  }
0x24: {  	[hbm4b:s13+s16] =	stream.linear.scatter @!p0 [tilespmem:s17], [sflag:$0x2], $0x5000, $0x38;
	[tilespmem:$0x5100] =	vst v63  }
0x25: {  	_ =	swait.ge @!p0 [sflag:s14], $0x5000  }
0x26: {  	[sflag:s14] =	ssyncset.done @!p0 $0x0  }
.LBB2_2:
0x27: {  	[sflag:s14] =	ssyncadd.s32 @!p0 $0xFFFFB000  }
0x28: {  	_ =	sfence.sel $0x180000  }
0x29: {  	[bflag:$0x0] =	sbarrier.arrive $0xFFFF  }
0x2a: {  	p0 =	sne.s32 s0, $0x0;
	_ =	strace $0x9000004D  }
0x2b: {  	s0 =	sadd.s32 @!p0 $0x100000, s1;
	[bflag:$0x2] =	sbarrier.arrive $0xFFFF  }
0x2c: {  	[sflag:s0] =	ssyncadd.tile.s32 @!p0 $0x1;
	_ =	shalt  }
.Lfunc_end2:
_tile_overlayer_lowered:
.L_overlay_start_2:
0x2d: {  	(tag) =	ssettag $0x2  }
0x2e: {  	s0 =	rddreg [dreg:$0x0];
	s2 =	stileid.u32  }
0x2f: {  	s1 =	rddreg [dreg:$0x1];
	p0 =	sne.s32 s2, $0x0  }
0x30: {  	s3 =	rddreg [dreg:$0x2];
	[bflag:$0x3] =	sbarrier.arrive $0xFFFF;
	s2 =	simm.s32 @!p0 $0x1C02  }
0x31: {  	[timem:s3], [sflag:s2] =	dma.local @!p0 [hbm:s0], s1  }
0x32: {  	s0 =	simm.s32 @!p0 $0x2  }
0x33: {  	_ =	swait.ge @!p0 [sflag:s0], s1  }
0x34: {  	s1 =	ssub.s32 @!p0 $0x0, s1;
	[sflag:s0] =	ssyncset.done @!p0 $0x0  }
0x35: {  	[sflag:s0] =	ssyncadd.s32 @!p0 s1  }
0x36: {  	[bflag:$0x3] =	sbarrier.arrive $0xFFFF  }
0x37: {  	_ =	shalt  }

// kernel: kernel.7.cloned.1.call-start
scs
__scs_entry_jumppad:
0x0: {  	(pc) =	sbr.rel $0x88, $3  }
0x1: {  	(tag) =	ssettag $0x0;
	lr =	simm.s32 $0x1  }
0x2: {  	[smem:$0x3F91] =	sst lr;
	_ =	strace $0xD0000000  }
0x3: {  	_ = 	snop  }
0x4: {  	_ = 	snop  }
0x5: {  	_ = 	snop  }
0x6: {  	_ = 	snop  }
0x7: {  	_ = 	snop  }
__scs_overlays_trampoline_lowered:
0x8: {  	[smem:$0x3FA0] =	sst s0  }
0x9: {  	[smem:$0x3FA1] =	sst s1  }
0xa: {  	[smem:$0x3FA2] =	sst s2  }
0xb: {  	[smem:$0x3FA3] =	sst s3  }
0xc: {  	[smem:$0x3FA4] =	sst s4  }
0xd: {  	[smem:$0x3FA5] =	sst s5  }
0xe: {  	[smem:$0x3FA6] =	sst s6  }
0xf: {  	[smem:$0x3FA7] =	sst s7  }
0x10: {  	[smem:$0x3FA8] =	sst s8  }
0x11: {  	[smem:$0x3FA9] =	sst s9;
	s0 =	simm.s32 @!p0 $0x0  }
0x12: {  	s1 =	sld [smem:$0x3F8F];
	s0 =	simm.s32 @p0 $0x1  }
0x13: {  	[smem:$0x3FAA] =	sst s0;
	s0 =	simm.s32 @!p1 $0x0  }
0x14: {  	s2 =	sld [smem:$0x3F8E];
	s0 =	simm.s32 @p1 $0x1  }
0x15: {  	[smem:$0x3FAB] =	sst s0;
	s0 =	simm.s32 @!p2 $0x0  }
0x16: {  	s3 =	sld [smem:$0x3FDB];
	s0 =	simm.s32 @p2 $0x1  }
0x17: {  	s4 =	simm.s32 $0x1BF5;
	[smem:$0x3FAD] =	sst s0  }
0x18: {  	s0 =	sld [smem:$0x3F90];
	_ =	swait.ge [sflag:s4], $0x0  }
0x19: {  	s7 =	sld [smem:$0x3F91]  }
0x1a: {  	s8 =	sadd.s32 $0xFFFFE003, lr  }
0x1b: {  	s9 =	sadd.s32 $0xFFFFFEF7, lr;
	s5 =	simm.s32 $0xFFFFFFFF;
	p2 =	slt.u32 s8, $0xFFFFF086  }
0x1c: {  	p1 =	slt.u32 s9, $0xF7A;
	s5 =	simm.s32 @!p2 $0x0  }
0x1d: {  	s5 =	simm.s32 @p1 $0x1;
	p0 =	seq.s32 s7, s2  }
0x1e: {  	s7 =	smul.u32 @!p0 $0xF7A, s2;
	p2 =	seq.s32 @!p0 s5, $0x0  }
0x1f: {  	s9 =	smul.u32 $0xF7A, s1;
	s8 =	simm.s32 @!p0 $0x1BF5;
	p2 =	por !p2, p0  }
0x20: {  	[sflag:s8] =	ssyncset.s32 @!p0 $0xFFFFF086;
	s6 =	sadd.s32 @!p0 s3, s7;
	s7 =	simm.s32 @!p0 $0x108  }
0x21: {  	s3 =	sadd.s32 s3, s9;
	s6 =	sadd.s32 @!p0 $0x88, s6;
	s7 =	simm.s32 @p2 $0x1082  }
0x22: {  	[simem:s7], [sflag:s8] =	dma.local @!p0 [hbm:s6], $0xF7A  }
0x23: {  	s9 =	sor.u32 $0xD0000000, s2;
	s6 =	simm.s32 $0x108;
	_ =	swait.ge @!p0 [sflag:s8], $0x0  }
0x24: {  	s3 =	sadd.s32 $0x88, s3;
	s6 =	simm.s32 @!p1 $0x1082;
	[sflag:s4] =	ssyncset.s32 $0xFFFFF086  }
0x25: {  	[simem:s6], [sflag:s4] =	dma.local [hbm:s3], $0xF7A  }
0x26: {  	[smem:$0x3F91] =	sst s1;
	(tag) =	ssettag s2;
	_ =	strace s9  }
0x27: {  	s1 =	sld [smem:$0x3FA1]  }
0x28: {  	s2 =	sld [smem:$0x3FA2]  }
0x29: {  	s4 =	sld [smem:$0x3FA4]  }
0x2a: {  	p0 =	seq.s32 s5, $0x0;
	s5 =	sld [smem:$0x3FA5]  }
0x2b: {  	s6 =	sld [smem:$0x3FA6]  }
0x2c: {  	s7 =	sld [smem:$0x3FA7]  }
0x2d: {  	s3 =	simm.s32 $0x108;
	s8 =	sld [smem:$0x3FA8]  }
0x2e: {  	s3 =	simm.s32 @!p0 $0x1082;
	s9 =	sld [smem:$0x3FA9]  }
0x2f: {  	lr =	sadd.s32 s0, s3;
	s0 =	sld [smem:$0x3FA0]  }
0x30: {  	s3 =	sld [smem:$0x3FA3]  }
0x31: {  	[smem:$0x3FAC] =	sst s10  }
0x32: {  	s10 =	sld [smem:$0x3FAA];
	_ =	sdelay $0x3  }
0x33: {  	p0 =	seq.s32 s10, $0x1;
	s10 =	sld [smem:$0x3FAC];
	_ =	sdelay $0x3  }
0x34: {  	[smem:$0x3FAC] =	sst s10  }
0x35: {  	s10 =	sld [smem:$0x3FAB];
	_ =	sdelay $0x3  }
0x36: {  	p1 =	seq.s32 s10, $0x1;
	s10 =	sld [smem:$0x3FAC];
	_ =	sdelay $0x3  }
0x37: {  	[smem:$0x3FAC] =	sst s10  }
0x38: {  	s10 =	sld [smem:$0x3FAD]  }
0x39: {  	_ = 	snop;
	(pc) =	sbr.ind lr, $3  }
0x3a: {  	_ = 	snop  }
0x3b: {  	_ = 	snop  }
0x3c: {  	p2 =	seq.s32 s10, $0x1;
	s10 =	sld [smem:$0x3FAC]  }
0x3d: {  	_ =	shalt  }
0x3e: {  	_ =	shalt  }
0x3f: {  	_ =	shalt  }
0x40: {  	_ =	shalt  }
0x41: {  	_ =	shalt  }
0x42: {  	_ =	shalt  }
0x43: {  	_ =	shalt  }
0x44: {  	_ =	shalt  }
0x45: {  	_ =	shalt  }
0x46: {  	_ =	shalt  }
0x47: {  	_ =	shalt  }
0x48: {  	_ =	shalt  }
0x49: {  	_ =	shalt  }
0x4a: {  	_ =	shalt  }
0x4b: {  	_ =	shalt  }
0x4c: {  	_ =	shalt  }
0x4d: {  	_ =	shalt  }
0x4e: {  	_ =	shalt  }
0x4f: {  	_ =	shalt  }
0x50: {  	_ =	shalt  }
0x51: {  	_ =	shalt  }
0x52: {  	_ =	shalt  }
0x53: {  	_ =	shalt  }
0x54: {  	_ =	shalt  }
0x55: {  	_ =	shalt  }
0x56: {  	_ =	shalt  }
0x57: {  	_ =	shalt  }
0x58: {  	_ =	shalt  }
0x59: {  	_ =	shalt  }
0x5a: {  	_ =	shalt  }
0x5b: {  	_ =	shalt  }
0x5c: {  	_ =	shalt  }
0x5d: {  	_ =	shalt  }
0x5e: {  	_ =	shalt  }
0x5f: {  	_ =	shalt  }
0x60: {  	_ =	shalt  }
0x61: {  	_ =	shalt  }
0x62: {  	_ =	shalt  }
0x63: {  	_ =	shalt  }
0x64: {  	_ =	shalt  }
0x65: {  	_ =	shalt  }
0x66: {  	_ =	shalt  }
0x67: {  	_ =	shalt  }
0x68: {  	_ =	shalt  }
0x69: {  	_ =	shalt  }
0x6a: {  	_ =	shalt  }
0x6b: {  	_ =	shalt  }
0x6c: {  	_ =	shalt  }
0x6d: {  	_ =	shalt  }
0x6e: {  	_ =	shalt  }
0x6f: {  	_ =	shalt  }
0x70: {  	_ =	shalt  }
0x71: {  	_ =	shalt  }
0x72: {  	_ =	shalt  }
0x73: {  	_ =	shalt  }
0x74: {  	_ =	shalt  }
0x75: {  	_ =	shalt  }
0x76: {  	_ =	shalt  }
0x77: {  	_ =	shalt  }
0x78: {  	_ =	shalt  }
0x79: {  	_ =	shalt  }
0x7a: {  	_ =	shalt  }
0x7b: {  	_ =	shalt  }
0x7c: {  	_ =	shalt  }
0x7d: {  	_ =	shalt  }
0x7e: {  	_ =	shalt  }
0x7f: {  	_ =	shalt  }
0x80: {  	_ =	shalt  }
0x81: {  	_ =	shalt  }
0x82: {  	_ =	shalt  }
0x83: {  	_ =	shalt  }
0x84: {  	_ =	shalt  }
0x85: {  	_ =	shalt  }
0x86: {  	_ =	shalt  }
0x87: {  	_ =	shalt  }
.Lfunc_end0:
.L_simem_size_0:
called_computation_lowered:
.L_overlay_start_0:
0x88: {  	s2 =	sld [smem:$0x3FD9]  }
0x89: {  	s3 =	sld [smem:$0x3FFE];
	_ =	sdelay $0x1  }
0x8a: {  	s1 =	srdreg.scid  }
0x8b: {  	s0 =	sand.u32 $0x1, s1  }
0x8c: {  	s14 =	sshll.u32 s0, $0xA;
	s2 =	sadd.s32 s3, s2  }
0x8d: {  	s2 =	sadd.s32 s2, s14  }
0x8e: {  	[smem:$0x3FB8] =	sst s2  }
0x8f: {  	_ = 	snop  }
0x90: {  	s2 =	sld [smem:$0x3FD0];
	_ =	sdelay $0x2  }
0x91: {  	s15 =	simm.s32 $0xA;
	s4 =	simm.s32 $0x10  }
0x92: {  	[smem:s4], [sflag:s15] =	dma.local [hbm:s2], $0x1  }
0x93: {  	_ =	swait.eq [sflag:s15], $0x1  }
0x94: {  	[sflag:s15] =	ssyncset.done $0x0  }
0x95: {  	[sflag:s15] =	ssyncadd.s32 $0xFFFFFFFF  }
0x96: {  	s16 =	sld [smem:$0x11];
	(tm) =	ssettm $0x1  }
0x97: {  	s17 =	sld [smem:$0x3FFB];
	_ =	sdelay $0x3  }
0x98: {  	_ =	strace s17  }
0x99: {  	s3 =	sld [smem:$0x3FFC];
	_ =	sdelay $0x3  }
0x9a: {  	_ =	strace s3  }
0x9b: {  	s3 =	sld [smem:$0x3FFD];
	_ =	sdelay $0x3  }
0x9c: {  	_ =	strace s3  }
0x9d: {  	_ =	strace $0x8FFFFFFF  }
0x9e: {  	s18 =	sld [smem:$0x3FDB];
	_ =	sdelay $0x1  }
0x9f: {  	s19 =	simm.s32 $_scs_section_size  }
0xa0: {  	s5 =	simm.s32 $_size__tile_overlayer_lowered;
	s6 =	simm.s32 $_tile_overlayer_lowered  }
0xa1: {  	s22 =	simm.s32 $0x1BFF;
	s21 =	sshll.u32 s6, $0x1;
	s3 =	sadd.s32 s19, s18  }
0xa2: {  	s7 =	simm.s32 $0x0;
	s20 =	sshll.u32 s5, $0x1;
	s5 =	sadd.s32 s21, s3  }
0xa3: {  	[timem:s7], [sflag:s22] =	dma.local [hbm:s5], s20  }
0xa4: {  	_ =	swait.ge [sflag:s22], s20  }
0xa5: {  	s4 =	ssub.s32 $0x0, s20;
	[sflag:s22] =	ssyncset.done $0x0  }
0xa6: {  	[sflag:s22] =	ssyncadd.s32 s4;
	_ =	sdelay $0x1  }
0xa7: {  	s23 =	simm.s32 $0x1B8B  }
0xa8: {  	_ =	swait.ge [sflag:s23], $0x1  }
0xa9: {  	[sflag:s23] =	ssyncset.done $0x0  }
0xaa: {  	s25 =	simm.s32 $0x1B8E;
	s24 =	sld [smem:$0x3FFE];
	[sflag:s23] =	ssyncadd.s32 $0xFFFFFFFF  }
0xab: {  	s26 =	simm.s32 $execute0_lowered;
	[smem:$0x3FD2] =	sst s25  }
0xac: {  	s5 =	sshll.u32 s26, $0x1;
	_ =	strace $0x80000046;
	[dreg:$0x1] =	wrdreg $0xFFFFFFFF  }
0xad: {  	s28 =	simm.s32 $_size_execute0_lowered;
	s3 =	sadd.s32 s3, s5;
	[dreg:$0x0] =	wrdreg $0x0  }
0xae: {  	s5 =	sshll.u32 s28, $0x1;
	[dreg:$0x2] =	wrdreg s3  }
0xaf: {  	[dreg:$0x3] =	wrdreg s5  }
0xb0: {  	[dreg:$0x4] =	wrdreg $0xC0  }
0xb1: {  	_ =	task [dreg:s7], $0x5FFFF  }
0xb2: {  	[dreg:$0x1] =	wrdreg $0xFFFFFFFF  }
0xb3: {  	[dreg:$0x0] =	wrdreg $0x60  }
0xb4: {  	[dreg:$0x2] =	wrdreg s16  }
0xb5: {  	[dreg:$0x3] =	wrdreg s24  }
0xb6: {  	[dreg:$0x4] =	wrdreg $0x9  }
0xb7: {  	_ =	task.clear_ibuf [dreg:s7], $0x5FFFF;
	_ =	strace $0x90000046  }
0xb8: {  	s29 =	simm.s32 $0x9;
	_ =	strace $0x80000048  }
0xb9: {  	_ =	swait.ge [sflag:s29], $0x1  }
0xba: {  	[sflag:s29] =	ssyncadd.s32 $0xFFFFFFFF  }
0xbb: {  	_ =	strace $0x90000048  }
0xbc: {  	_ =	sfence  }
0xbd: {  	s30 =	sld [smem:$0x0];
	_ =	sdelay $0x2  }
0xbe: {  	s31 =	sshll.u32 s1, $0xD;
	s1 =	sshrl.u32 s1, $0x2  }
0xbf: {  	s3 =	sand.u32 $0x4000, s31;
	s1 =	sadd.s32 s1, s30  }
0xc0: {  	s0 =	sor.u32 s3, s0;
	s1 =	sshll.u32 s1, $0x11  }
0xc1: {  	s0 =	sor.u32 s1, s0  }
0xc2: {  	s0 =	sadd.s32 $0x8F2B, s0  }
0xc3: {  	[sflag:s0] =	ssyncadd.remote.s32 $0x1  }
0xc4: {  	_ =	sfence.sel $0xFFFF  }
0xc5: {  	[dreg:$0x0] =	wrdreg $0xFFFFFFFF;
	(pc) =	sbr.abs _section_cstart, $3  }
0xc6: {  	[dreg:$0x1] =	wrdreg $0xFFFFFFFF  }
0xc7: {  	_ =	task.clear_ibuf [dreg:s7], $0x2FFFF;
	_ =	strace $0x9FFFFFFF  }
0xc8: {  	(tm) =	ssettm $0x7FFFFFFF  }
0xc9: {  	_ =	shalt  }
tec
execute0_lowered:
.L_overlay_start_1:
0x0: {  	(tag) =	ssettag $0x1  }
0x1: {  	s0 =	srdreg.scid  }
0x2: {  	s3 =	sand.u32 $0x1, s0;
	s0 =	stileid.u32  }
0x3: {  	s4 =	sshll.u32 s0, $0x1;
	s6 =	ssub.s32 $0x0, s3  }
0x4: {  	p0 =	sne.s32 s4, s6  }
.Ltmp0:
0x5: {  	_ = 	snop;
	(pc) =	sbr.rel @p0 .LBB2_7-.Ltmp0, $4  }
0x6: {  	_ = 	snop  }
0x7: {  	s2 =	rddreg [dreg:$0x0]  }
0x8: {  	s5 =	rddreg [dreg:$0x1]  }
0x9: {  	s1 =	rddreg [dreg:$0x2];
	_ =	strace $0x80000047  }
0xa: {  	s4 =	ssub.s32 $0x2, s3  }
0xb: {  	s3 =	sadd.s32 $0x2600, s5;
	v2 =	vlaneseq.u32;
	s7 =	simm.s32 $0x0;
	s8 =	simm.s32 $0x1  }
0xc: {  	s9 =	simm.s32 $0x2800;
	s10 =	simm.s32 $0x5000;
	s6 =	sshrl.u32 s4, $0x1;
	v1 =	vmul.u32 $0xFFFFFFFF, v2  }
0xd: {  	s11 =	simm.s32 $0x6480;
	s12 =	simm.s32 $0x0;
	s6 =	ssub.s32 s4, s6  }
0xe: {  	v0 =	vimm.s32 $0x0;
	v2 =	vor.u32 $0x2820, v2;
	s4 =	sadd.s32 $0x2E00, s5;
	s5 =	sadd.s32 $0x2C00, s5;
	s6 =	smax.u32 s6, $0x1;
	v1 =	vadd.s32 $0x1388, v1  }
.LBB2_2:
0xf: {  	[tilespmem:s7], [sflag:$0x1] =	stream.linear.gather [hbm4b:s2+s7], $0x2800, $0x38;
	[tilespmem:$0x6500] =	vst v63  }
0x10: {  	_ =	swait.ge [sflag:s8], $0x2800  }
0x11: {  	[sflag:s8] =	ssyncset.done $0x0  }
0x12: {  	[sflag:s8] =	ssyncadd.s32 $0xFFFFD800  }
0x13: {  	s14 =	simm.s32 $0x0;
	[tilespmem:$0x6400] =	vst v0  }
0x14: {  	v3 =	vld [tilespmem:s14+$0x0];
	_ =	sdelay $0x4  }
0x15: {  	vm1 =	vne.s32 v3, $0x0  }
0x16: {  	v3 =	vsel vm1, $0x1, v0  }
0x17: {  	[tilespmem:$0x6410] =	vst v3  }
0x18: {  	v4 =	vld [tilespmem:$0x640F];
	_ =	sdelay $0x4  }
0x19: {  	v3 =	vadd.s32 v3, v4  }
0x1a: {  	[tilespmem:$0x6410] =	vst v3  }
0x1b: {  	v4 =	vld [tilespmem:$0x640E];
	_ =	sdelay $0x4  }
0x1c: {  	v3 =	vadd.s32 v3, v4  }
0x1d: {  	[tilespmem:$0x6410] =	vst v3  }
0x1e: {  	v4 =	vld [tilespmem:$0x640C];
	_ =	sdelay $0x4  }
0x1f: {  	v3 =	vadd.s32 v3, v4  }
0x20: {  	[tilespmem:$0x6410] =	vst v3  }
0x21: {  	v4 =	vld [tilespmem:$0x6408];
	_ =	sdelay $0x3  }
0x22: {  	s13 =	simm.s32 $0x10  }
0x23: {  	v5 =	vld [tilespmem:s13+$0x0];
	v3 =	vadd.s32 v3, v4;
	v4 =	vmov s7  }
0x24: {  	v4 =	vadd.s32 $0xFFFFFFFF, v4  }
0x25: {  	v4 =	vbroadcast v4, $0x0  }
0x26: {  	(v2sf) =	vpush v3, $0xF  }
0x27: {  	v3 =	vadd.s32 v3, v4  }
0x28: {  	vm0 =	vne.s32 v5, $0x0;
	v3 =	vnsel vm1, $0x2800, v3  }
0x29: {  	v4 =	vsel vm0, $0x1, v0;
	[tilespmem:s14+$0x2800] =	vst v3  }
0x2a: {  	[tilespmem:$0x6410] =	vst v4  }
0x2b: {  	v3 =	vld [tilespmem:$0x640F];
	_ =	sdelay $0x4  }
0x2c: {  	v3 =	vadd.s32 v4, v3  }
0x2d: {  	[tilespmem:$0x6410] =	vst v3  }
0x2e: {  	v4 =	vld [tilespmem:$0x640E];
	_ =	sdelay $0x2  }
0x2f: {  	s15 =	simm.s32 $0x80;
	s14 =	simm.s32 $0x0;
	s16 =	spop (v2sf)  }
.LBB2_3:
0x30: {  	p0 =	sne.s32 s15, $0x9FC0  }
0x31: {  	v3 =	vadd.s32 v3, v4;
	s14 =	sadd.s32 s14, s16;
	s16 =	smov.u32 s15;
	s15 =	sadd.s32 $0x40, s15  }
0x32: {  	[tilespmem:$0x6410] =	vst v3;
	v4 =	vmov s14  }
0x33: {  	v5 =	vld [tilespmem:$0x640C];
	v4 =	vadd.s32 $0xFFFFFFFF, v4;
	_ =	sdelay $0x4  }
0x34: {  	v3 =	vadd.s32 v3, v5  }
0x35: {  	[tilespmem:$0x6410] =	vst v3  }
0x36: {  	v5 =	vld [tilespmem:$0x6408]  }
0x37: {  	s16 =	sshra.s32 s16, $0x2  }
0x38: {  	v6 =	vld [tilespmem:s16+$0x0];
	_ =	sdelay $0x1  }
0x39: {  	v4 =	vbroadcast v4, $0x0  }
0x3a: {  	v3 =	vadd.s32 v3, v5  }
0x3b: {  	v4 =	vadd.s32 v3, v4;
	(v2sf) =	vpush v3, $0xF  }
0x3c: {  	v3 =	vnsel vm0, $0x2800, v4;
	vm0 =	vne.s32 v6, $0x0  }
0x3d: {  	v4 =	vsel vm0, $0x1, v0;
	[tilespmem:s13+$0x2800] =	vst v3;
	s13 =	smov.u32 s16  }
0x3e: {  	[tilespmem:$0x6410] =	vst v4  }
0x3f: {  	v3 =	vld [tilespmem:$0x640F];
	_ =	sdelay $0x4  }
0x40: {  	v3 =	vadd.s32 v4, v3  }
0x41: {  	[tilespmem:$0x6410] =	vst v3  }
.Ltmp1:
0x42: {  	v4 =	vld [tilespmem:$0x640E];
	(pc) =	sbr.rel @p0 .LBB2_3-.Ltmp1, $2  }
0x43: {  	_ =	sdelay $0x2  }
0x44: {  	s16 =	spop (v2sf)  }
0x45: {  	v3 =	vadd.s32 v3, v4  }
0x46: {  	[tilespmem:$0x6410] =	vst v3  }
0x47: {  	v4 =	vld [tilespmem:$0x640C];
	_ =	sdelay $0x4  }
0x48: {  	v3 =	vadd.s32 v3, v4  }
0x49: {  	[tilespmem:$0x6410] =	vst v3  }
0x4a: {  	v4 =	vld [tilespmem:$0x6408];
	_ =	sdelay $0x1  }
0x4b: {  	s14 =	sadd.s32 s14, s16  }
0x4c: {  	v5 =	vmov s14  }
0x4d: {  	v5 =	vadd.s32 $0xFFFFFFFF, v5  }
0x4e: {  	v3 =	vadd.s32 v3, v4;
	v4 =	vbroadcast v5, $0x0  }
0x4f: {  	(v2sf) =	vpush v3, $0xF  }
0x50: {  	v3 =	vadd.s32 v3, v4  }
0x51: {  	v3 =	vnsel vm0, $0x2800, v3  }
0x52: {  	s29 =	simm.s32 $0x1388;
	[tilespmem:s13+$0x2800] =	vst v3  }
0x53: {  	v3 =	vld [tilespmem:s29+$0x0]  }
0x54: {  	s15 =	simm.s32 $0x3B88;
	v4 =	vld [tilespmem:s29+$0xFFFFEC78]  }
0x55: {  	v5 =	vld [tilespmem:s15+$0xFFFFEC78]  }
0x56: {  	v6 =	vld [tilespmem:s15+$0x0];
	_ =	sdelay $0x1  }
0x57: {  	s30 =	simm.s32 $0x0  }
0x58: {  	vm14 =	veq.s32 v4, $0x0;
	v4 =	vadd.s32 s30, v2  }
0x59: {  	v7 =	vmov s30;
	vm1 =	veq.s32 v3, $0x0;
	v3 =	vsel vm14, v4, v5  }
0x5a: {  	vm15 =	vlt.u32 v7, v1;
	v3 =	vsel vm1, v3, v6  }
0x5b: {  	s13 =	simm.s32 $0x5000;
	v3 =	vsel vm15, v3, v4  }
0x5c: {  	s15 =	simm.s32 $0x1398;
	[tilespmem:s13+$0x0] =	vst v3  }
0x5d: {  	s16 =	simm.s32 $0x10;
	v3 =	vld [tilespmem:s15+$0x0];
	s31 =	spop (v2sf)  }
0x5e: {  	s18 =	simm.s32 $0x20;
	s17 =	simm.s32 $0x3B98;
	v4 =	vld [tilespmem:s15+$0xFFFFEC78];
	s14 =	sadd.s32 s14, s31  }
.LBB2_5:
0x5f: {  	p0 =	sne.s32 s18, $0x13F0;
	v5 =	vld [tilespmem:s17+$0xFFFFEC78]  }
0x60: {  	v6 =	vld [tilespmem:s17+$0x0];
	_ =	sdelay $0x2  }
0x61: {  	vm0 =	veq.s32 v4, $0x0;
	v4 =	vadd.s32 s16, v2  }
0x62: {  	v7 =	vmov s16;
	vm1 =	veq.s32 v3, $0x0;
	s16 =	smov.u32 s18;
	v3 =	vsel vm0, v4, v5  }
.Ltmp2:
0x63: {  	vm0 =	vlt.u32 v7, v1;
	v3 =	vsel vm1, v3, v6;
	(pc) =	sbr.rel @p0 .LBB2_5-.Ltmp2, $4  }
0x64: {  	s13 =	sadd.s32 $0x10, s13;
	v3 =	vsel vm0, v3, v4  }
0x65: {  	s15 =	sadd.s32 $0x10, s15;
	[tilespmem:s13+$0x0] =	vst v3  }
0x66: {  	v3 =	vld [tilespmem:s15+$0x0]  }
0x67: {  	s17 =	sadd.s32 $0x10, s17;
	s18 =	sadd.s32 $0x10, s18;
	v4 =	vld [tilespmem:s15+$0xFFFFEC78]  }
0x68: {  	v5 =	vld [tilespmem:s17+$0xFFFFEC78]  }
0x69: {  	v6 =	vld [tilespmem:s17+$0x0];
	_ =	sdelay $0x2  }
0x6a: {  	v63 =	vadd.s32 s16, v2;
	vm0 =	veq.s32 v4, $0x0  }
0x6b: {  	v7 =	vmov s16;
	vm1 =	veq.s32 v3, $0x0;
	v3 =	vsel vm0, v63, v5  }
0x6c: {  	vm15 =	vlt.u32 v7, v1;
	v3 =	vsel vm1, v3, v6  }
0x6d: {  	s13 =	sadd.s32 $0x10, s13;
	v3 =	vsel vm15, v3, v63  }
0x6e: {  	[tilespmem:s13+$0x0] =	vst v3;
	v3 =	vmov s14  }
0x6f: {  	[tilespmem:$0x6480] =	vst v3  }
0x70: {  	[hbm4b:s3+s7] =	stream.linear.scatter [tilespmem:s9], [sflag:$0x1], $0x2800, $0x38;
	[tilespmem:$0x6500] =	vst v63  }
0x71: {  	_ =	swait.ge [sflag:s8], $0x2800  }
0x72: {  	[sflag:s8] =	ssyncset.done $0x0  }
0x73: {  	[sflag:s8] =	ssyncadd.s32 $0xFFFFD800  }
0x74: {  	[hbm4b:s4+s7] =	stream.linear.scatter [tilespmem:s10], [sflag:$0x1], $0x1400, $0x38;
	[tilespmem:$0x6500] =	vst v63  }
0x75: {  	s12 =	sadd.s32 $0x1, s12;
	_ =	swait.ge [sflag:s8], $0x1400  }
0x76: {  	p0 =	sne.s32 s12, s6;
	[sflag:s8] =	ssyncset.done $0x0  }
.Ltmp3:
0x77: {  	[sflag:s8] =	ssyncadd.s32 $0xFFFFEC00;
	(pc) =	sbr.rel @p0 .LBB2_2-.Ltmp3, $4  }
0x78: {  	[hbm4b:s5+s7] =	stream.linear.scatter [tilespmem:s11], [sflag:$0x1], $0x80, $0x38;
	[tilespmem:$0x6500] =	vst v63  }
0x79: {  	_ =	swait.ge [sflag:s8], $0x80  }
0x7a: {  	[sflag:s8] =	ssyncset.done $0x0  }
0x7b: {  	[sflag:s8] =	ssyncadd.s32 $0xFFFFFF80  }
.LBB2_7:
0x7c: {  	_ =	sfence.sel $0x180000  }
0x7d: {  	[bflag:$0x0] =	sbarrier.arrive $0xFFFF  }
0x7e: {  	p0 =	sne.s32 s0, $0x0;
	_ =	strace $0x90000047  }
0x7f: {  	s0 =	sadd.s32 @!p0 $0x100000, s1;
	[bflag:$0x2] =	sbarrier.arrive $0xFFFF  }
0x80: {  	[sflag:s0] =	ssyncadd.tile.s32 @!p0 $0x1;
	_ =	shalt  }
.Lfunc_end2:
_tile_overlayer_lowered:
.L_overlay_start_2:
0x81: {  	(tag) =	ssettag $0x2  }
0x82: {  	s0 =	rddreg [dreg:$0x0];
	s2 =	stileid.u32  }
0x83: {  	s1 =	rddreg [dreg:$0x1];
	p0 =	sne.s32 s2, $0x0  }
0x84: {  	s3 =	rddreg [dreg:$0x2];
	[bflag:$0x3] =	sbarrier.arrive $0xFFFF;
	s2 =	simm.s32 @!p0 $0x1C01  }
0x85: {  	[timem:s3], [sflag:s2] =	dma.local @!p0 [hbm:s0], s1  }
0x86: {  	s0 =	simm.s32 @!p0 $0x1  }
0x87: {  	_ =	swait.ge @!p0 [sflag:s0], s1  }
0x88: {  	s1 =	ssub.s32 @!p0 $0x0, s1;
	[sflag:s0] =	ssyncset.done @!p0 $0x0  }
0x89: {  	[sflag:s0] =	ssyncadd.s32 @!p0 s1  }
0x8a: {  	[bflag:$0x3] =	sbarrier.arrive $0xFFFF  }
0x8b: {  	_ =	shalt  }

</sc_bundles>
